<compile_context>
chip_gen: v7x
topology: tpu7x:2x2x1
jax: 0.10.2.dev20260603
libtpu: 0.0.44.dev20260713+nightly
codegen_flags: <defaults>
</compile_context>

<pallas_src>
import functools

import jax
import jax.numpy as jnp
from jax import lax
from jax.experimental import pallas as pl
from jax.experimental.pallas import tpu as pltpu
from jax.experimental.pallas import tpu_sc as plsc

_THRESHOLD = 0.99

_NC = 2
_NS = 16
_NW = _NC * _NS


def _iota16():
    return lax.iota(jnp.int32, 16)


def _cumsum16(kv):
    c = kv
    io = _iota16()
    for k in (1, 2, 4, 8):
        sh = c.at[jnp.maximum(io - k, 0)].get(mode="promise_in_bounds")
        c = c + jnp.where(io >= k, sh, 0)
    return c


def _mask_body(h_ref, w_ref, b_ref, keep_ref, cnt_ref):
    hb = h_ref[0]
    w = w_ref[0]
    wmat = jnp.broadcast_to(w[:, None], (w.shape[0], 128))
    logit = jnp.dot(hb, wmat,
                    preferred_element_type=jnp.float32)[:, 0] + b_ref[0]
    p = jax.nn.sigmoid(logit)
    ki = (p < _THRESHOLD).astype(jnp.int32)
    keep_ref[0, 0, :] = ki
    cnt_ref[0, 0, :] = jnp.broadcast_to(jnp.sum(ki), (128,))


def _make_sc_pack(B, M, H):
    WPB = _NW // B
    TPW = M // WPB
    CH = 64
    NCH = TPW // CH

    mesh = plsc.VectorSubcoreMesh(core_axis_name="c", subcore_axis_name="s")

    @functools.partial(
        pl.kernel,
        mesh=mesh,
        out_type=jax.ShapeDtypeStruct((B * M, H), jnp.float32),
        scratch_types=[
            pltpu.VMEM((M,), jnp.int32),
            pltpu.VMEM((NCH, CH), jnp.int32),
            pltpu.VMEM((2, CH, H), jnp.float32),
            pltpu.VMEM((H,), jnp.float32),
            pltpu.VMEM((16,), jnp.int32),
            pltpu.SMEM((NCH,), jnp.int32),
            pltpu.SemaphoreType.DMA,
            pltpu.SemaphoreType.DMA,
        ],
    )
    def sc_pack(h_hbm, keep_hbm, cnt_hbm, pad_hbm, out_hbm, keep_v, dest_v,
                buf_v, pad_v, cnt_v, ccnt_s, rsem, wsem):
        cid = lax.axis_index("c")
        sid = lax.axis_index("s")
        wid = sid * _NC + cid
        b_id = wid // WPB
        q = wid % WPB
        base = b_id * M
        tbase = q * TPW
        rbase = base + tbase

        pltpu.sync_copy(cnt_hbm.at[pl.ds(b_id * 128, 16)], cnt_v)
        count_b = _cumsum16(jnp.where(_iota16() == 0, cnt_v[pl.ds(0, 16)],
                                      0))[15]

        def _general_path():
            pltpu.sync_copy(keep_hbm.at[pl.ds(base, M)], keep_v)
            pltpu.sync_copy(pad_hbm.at[0], pad_v)

            def _acc(j, kt):
                return kt + _cumsum16(keep_v[pl.ds(j * 16, 16)])[15]
            kt_pre = lax.fori_loop(0, tbase // 16, _acc, jnp.int32(0))
            ex_pre = tbase - kt_pre

            def _dest_chunk(k, carry):
                kt, ex = carry
                s_chunk = jnp.int32(0)
                for g in range(CH // 16):
                    off = tbase + k * CH + g * 16
                    kv = keep_v[pl.ds(off, 16)]
                    c_inc = _cumsum16(kv)
                    e_inc = (_iota16() + 1) - c_inc
                    dest = jnp.where(kv > 0,
                                     kt + c_inc - 1,
                                     count_b + ex + e_inc - 1) + base
                    dest_v[k, pl.ds(g * 16, 16)] = dest
                    csum = c_inc[15]
                    s_chunk = s_chunk + csum
                    kt = kt + csum
                    ex = ex + (16 - csum)
                ccnt_s[k] = s_chunk
                return kt, ex
            lax.fori_loop(0, NCH, _dest_chunk, (kt_pre, ex_pre))

            pltpu.async_copy(h_hbm.at[pl.ds(rbase, CH)], buf_v.at[0], rsem)

            def _move_chunk(k, _):
                slot = k % 2
                nslot = (k + 1) % 2
                koff = tbase + k * CH

                @pl.when(k > 0)
                def _():
                    pltpu.make_async_copy(
                        buf_v.at[nslot], out_hbm.at[dest_v.at[k - 1]],
                        wsem).wait()

                @pl.when(k + 1 < NCH)
                def _():
                    pltpu.async_copy(
                        h_hbm.at[pl.ds(rbase + (k + 1) * CH, CH)],
                        buf_v.at[nslot], rsem)

                pltpu.make_async_copy(
                    h_hbm.at[pl.ds(rbase, CH)], buf_v.at[slot], rsem).wait()

                @pl.when(ccnt_s[k] < CH)
                def _patch():
                    def _row(r, _c):
                        kv = keep_v[pl.ds(koff + (r // 16) * 16, 16)]
                        flag = _cumsum16(
                            jnp.where(_iota16() == r % 16, kv, 0))[15]

                        @pl.when(flag == 0)
                        def _z():
                            def _col(c, _d):
                                buf_v[slot, r, pl.ds(c * 16, 16)] = (
                                    pad_v[pl.ds(c * 16, 16)])
                                return _d
                            lax.fori_loop(0, H // 16, _col, 0)
                        return _c
                    lax.fori_loop(0, CH, _row, 0)

                pltpu.async_copy(buf_v.at[slot], out_hbm.at[dest_v.at[k]],
                                 wsem)
                return 0
            lax.fori_loop(0, NCH, _move_chunk, 0)
            pltpu.make_async_copy(
                buf_v.at[(NCH - 1) % 2], out_hbm.at[dest_v.at[NCH - 1]],
                wsem).wait()

        @pl.when(count_b == M)
        def _identity():
            pltpu.async_copy(h_hbm.at[pl.ds(rbase, CH)], buf_v.at[0], rsem)

            def _lin(k, _):
                slot = k % 2
                nslot = (k + 1) % 2

                @pl.when(k > 0)
                def _():
                    pltpu.make_async_copy(
                        buf_v.at[nslot],
                        out_hbm.at[pl.ds(rbase + (k - 1) * CH, CH)],
                        wsem).wait()

                @pl.when(k + 1 < NCH)
                def _():
                    pltpu.async_copy(
                        h_hbm.at[pl.ds(rbase + (k + 1) * CH, CH)],
                        buf_v.at[nslot], rsem)

                pltpu.make_async_copy(
                    h_hbm.at[pl.ds(rbase, CH)], buf_v.at[slot], rsem).wait()
                pltpu.async_copy(buf_v.at[slot],
                                 out_hbm.at[pl.ds(rbase + k * CH, CH)], wsem)
                return 0
            lax.fori_loop(0, NCH, _lin, 0)
            pltpu.make_async_copy(
                buf_v.at[(NCH - 1) % 2],
                out_hbm.at[pl.ds(rbase + (NCH - 1) * CH, CH)], wsem).wait()

        @pl.when(count_b < M)
        def _general():
            _general_path()

    return sc_pack


def kernel(h, W, b, pad_h):
    B, M, H = h.shape

    keep, counts = pl.pallas_call(
        _mask_body,
        grid=(B,),
        in_specs=[
            pl.BlockSpec((1, M, H), lambda i: (i, 0, 0)),
            pl.BlockSpec((1, H), lambda i: (0, 0)),
            pl.BlockSpec(memory_space=pltpu.SMEM),
        ],
        out_specs=[
            pl.BlockSpec((1, 1, M), lambda i: (i, 0, 0)),
            pl.BlockSpec((1, 1, 128), lambda i: (i, 0, 0)),
        ],
        out_shape=[
            jax.ShapeDtypeStruct((B, 1, M), jnp.int32),
            jax.ShapeDtypeStruct((B, 1, 128), jnp.int32),
        ],
    )(h, W, b)

    sc_pack = _make_sc_pack(B, M, H)
    out = sc_pack(h.reshape(B * M, H), keep.reshape(B * M),
                  counts.reshape(B * 128), pad_h)
    return out.reshape(B, M, H)

# --- scband reference (transcript-rebuilt; emitter-appended) ---
"""Pipeline reference for scband-adaptive-computation-time-26001732010492 (READ-ONLY COPY).

The authoritative reference and input builder live on the scoring server;
editing this copy changes nothing except your own understanding.
"""

import jax, jax.numpy as jnp
import numpy as np

B, M, H = 8, 4096, 512
THRESHOLD = 0.99

def setup_inputs(seed: int = 0):
    key = jax.random.key(seed)
    k1, k2, k3, k4 = jax.random.split(key, 4)
    h = jax.random.normal(k1, (B, M, H), dtype=jnp.float32)
    # Linear(H, 1): weight (1, H), bias (1,). Scaled small so sigmoid(p) stays well below threshold
    # on the first ACT step (matches typical torch default-init behavior: no tokens exit at step 1).
    W = jax.random.normal(k2, (1, H), dtype=jnp.float32) * 0.01
    b = jnp.zeros((1,), dtype=jnp.float32)
    pad_h = jnp.zeros((1, H), dtype=jnp.float32)
    return {"h": h, "W": W, "b": b, "pad_h": pad_h}

def reference(h, W, b, pad_h):
    # State buffers exactly as after __init__ / init_act (first forward call).
    align = jnp.arange(M)
    index_run = np.arange(B * M).reshape(B, M, 1)
    run = jnp.ones((B, M, 1), dtype=bool)
    unpack_h = jnp.zeros((B, M, H), dtype=h.dtype)
    weighted_h = jnp.zeros((B, M, H), dtype=h.dtype)
    acc_p = jnp.zeros((B, M, 1), dtype=h.dtype)
    remainders = jnp.zeros((B, M, 1), dtype=h.dtype)
    exit_ = jnp.zeros((B, M, 1), dtype=jnp.int32)

    # ---- unpack(h, run): restore to full (B, M, H) via index_copy ----
    # run is structurally the all-True buffer from init_act, so its derived
    # masks/indices are input-independent constants computed host-side.
    run_np = np.ones((B, M, 1), dtype=bool)
    sum_ = run_np.sum(1).reshape(-1)                   # (B,)
    max_ = int(sum_.max())
    pack_mask = np.clip(-np.arange(max_) + sum_[:, None], 0, 1).astype(bool)  # (B, max_)
    idx = index_run[run_np]                            # (n,) destination rows
    vals = h[pack_mask]                                # (n, H) packed source rows
    h_full = unpack_h.reshape(-1, H).at[idx].set(vals).reshape(B, M, H)

    # ---- ACT halting update ----
    p = jax.nn.sigmoid(h_full @ W.T + b) * run
    mask_continue = ((acc_p + p) < THRESHOLD) & run
    mask_exit = (~mask_continue) & run
    update = p * mask_continue + (1.0 - acc_p) * mask_exit
    weighted_h = h_full * update + weighted_h
    run2 = run & mask_continue
    acc_p = acc_p + update * mask_continue
    remainders = remainders + (1.0 - acc_p) * mask_exit
    updates = 1
    exit_ = exit_ + updates * mask_exit

    # ---- pack(h_full, run2): left-pack running tokens ----
    sum2 = run2.sum(1)                                 # (B, 1)
    max2 = h.shape[1]                                  # == M: no token exits at step 1 by construction
    order = jnp.argsort(~run2[:, :, 0], axis=1, stable=True)      # (B, M) running rows first, in order
    packed = jnp.take_along_axis(h_full, order[:, :, None], axis=1)
    pos = align[None, :, None]                         # (1, M, 1)
    keep = pos < sum2[:, :, None]                      # (B, M, 1)
    out = jnp.where(keep, packed, pad_h[None, :, :]).reshape(B, max2, H)
    return out

if __name__ == "__main__":
    import jax
    _d = setup_inputs()
    print(jax.jit(kernel)(*tuple(_d.values())))

</pallas_src>

<mosaic_0001>
#map = affine_map<(d0, d1) -> (0, 0)>
#map1 = affine_map<(d0, d1) -> (0)>
module attributes {stable_mosaic.version = 14 : i64} {
  func.func @sc_pack(%arg0: i32, %arg1: i32, %arg2: memref<32768x512xf32, #tpu.memory_space<hbm>>, %arg3: memref<32768xi32, #tpu.memory_space<hbm>>, %arg4: memref<1024xi32, #tpu.memory_space<hbm>>, %arg5: memref<1x512xf32, #tpu.memory_space<hbm>>, %arg6: memref<32768x512xf32, #tpu.memory_space<hbm>>, %arg7: memref<4096xi32, #tpu.memory_space<vmem>>, %arg8: memref<16x64xi32, #tpu.memory_space<vmem>>, %arg9: memref<2x64x512xf32, #tpu.memory_space<vmem>>, %arg10: memref<512xf32, #tpu.memory_space<vmem>>, %arg11: memref<16xi32, #tpu.memory_space<vmem>>, %arg12: memref<16xi32, #tpu.memory_space<smem>>, %arg13: memref<!tpu.dma_semaphore, #tpu.memory_space<semaphore_mem>>, %arg14: memref<!tpu.dma_semaphore, #tpu.memory_space<semaphore_mem>>) attributes {dimension_semantics = [#tpu.dimension_semantics<core_parallel>, #tpu.dimension_semantics<subcore_parallel>], iteration_bounds = array<i64: 2, 16>, scalar_prefetch = 0 : i64, scratch_operands = 8 : i64, tpu.core_type = #tpu.core_type<sc_vector_subcore>, window_params = [{transform_indices = #map}, {transform_indices = #map1}, {transform_indices = #map1}, {transform_indices = #map}, {transform_indices = #map}]} {
    %mul3A = arith.constant 2 : i32
    %mul3A_0 = arith.muli %arg1, %mul3A : i32
    %add3A = arith.addi %mul3A_0, %arg0 : i32
    %jit3A = arith.constant 4 : i32
    %div3A = arith.divsi %add3A, %jit3A : i32
    %sign3A = arith.constant 0 : i32
    %sign3A_1 = arith.cmpi sgt, %add3A, %sign3A : i32
    %sign3A_2 = arith.extui %sign3A_1 : i1 to i32
    %sign3A_3 = arith.constant 0 : i32
    %sign3A_4 = arith.cmpi slt, %add3A, %sign3A_3 : i32
    %sign3A_5 = arith.extui %sign3A_4 : i1 to i32
    %sign3A_6 = arith.subi %sign3A_2, %sign3A_5 : i32
    %sign3A_7 = arith.constant 0 : i32
    %sign3A_8 = arith.cmpi sgt, %jit3A, %sign3A_7 : i32
    %sign3A_9 = arith.extui %sign3A_8 : i1 to i32
    %sign3A_10 = arith.constant 0 : i32
    %sign3A_11 = arith.cmpi slt, %jit3A, %sign3A_10 : i32
    %sign3A_12 = arith.extui %sign3A_11 : i1 to i32
    %sign3A_13 = arith.subi %sign3A_9, %sign3A_12 : i32
    %ne3A = arith.cmpi ne, %sign3A_6, %sign3A_13 : i32
    %rem3A = arith.remsi %add3A, %jit3A : i32
    %ne3A_14 = arith.constant 0 : i32
    %ne3A_15 = arith.cmpi ne, %rem3A, %ne3A_14 : i32
    %and3A = arith.andi %ne3A, %ne3A_15 : i1
    %sub3A = arith.constant 1 : i32
    %sub3A_16 = arith.subi %div3A, %sub3A : i32
    %select_n3A = arith.select %and3A, %sub3A_16, %div3A : i32
    %jit3A_17 = arith.constant 4 : i32
    %eq3A = arith.constant 0 : i32
    %eq3A_18 = arith.cmpi eq, %jit3A_17, %eq3A : i32
    %jit3A_19 = arith.constant 1 : i32
    %select_n3A_20 = arith.select %eq3A_18, %jit3A_19, %jit3A_17 : i32
    %rem3A_21 = arith.remsi %add3A, %select_n3A_20 : i32
    %ne3A_22 = arith.constant 0 : i32
    %ne3A_23 = arith.cmpi ne, %rem3A_21, %ne3A_22 : i32
    %lt3A = arith.constant 0 : i32
    %lt3A_24 = arith.cmpi slt, %rem3A_21, %lt3A : i32
    %lt3A_25 = arith.constant 0 : i32
    %lt3A_26 = arith.cmpi slt, %select_n3A_20, %lt3A_25 : i32
    %ne3A_27 = arith.xori %lt3A_24, %lt3A_26 : i1
    %and3A_28 = arith.andi %ne3A_27, %ne3A_23 : i1
    %add3A_29 = arith.addi %rem3A_21, %select_n3A_20 : i32
    %select_n3A_30 = arith.select %and3A_28, %add3A_29, %rem3A_21 : i32
    %mul3A_31 = arith.constant 4096 : i32
    %mul3A_32 = arith.muli %select_n3A, %mul3A_31 : i32
    %mul3A_33 = arith.constant 1024 : i32
    %mul3A_34 = arith.muli %select_n3A_30, %mul3A_33 : i32
    %add3A_35 = arith.addi %mul3A_32, %mul3A_34 : i32
    %mul3A_36 = arith.constant 128 : i32
    %mul3A_37 = arith.muli %select_n3A, %mul3A_36 : i32
    "tpu.region"() ({
      %run_scoped3A = tpu.sem_alloc : memref<!tpu.dma_semaphore, #tpu.memory_space<semaphore_mem>>
      %dma_start3A = tpu.memref_slice %arg4[%mul3A_37] : memref<1024xi32, #tpu.memory_space<hbm>> -> memref<16xi32, #tpu.memory_space<hbm>>
      %dma_start3A_143 = tpu.memref_slice %arg4[%mul3A_37] : memref<1024xi32, #tpu.memory_space<hbm>> -> memref<16xi32, #tpu.memory_space<hbm>>
      tpu.enqueue_dma source(%dma_start3A_143 : memref<16xi32, #tpu.memory_space<hbm>>) target(%arg11 : memref<16xi32, #tpu.memory_space<vmem>>) target_semaphore(%run_scoped3A : memref<!tpu.dma_semaphore, #tpu.memory_space<semaphore_mem>>)
      %dma_wait3A = tpu.memref_slice %arg4[%mul3A_37] : memref<1024xi32, #tpu.memory_space<hbm>> -> memref<16xi32, #tpu.memory_space<hbm>>
      %dma_wait3A_144 = tpu.memref_slice %arg4[%mul3A_37] : memref<1024xi32, #tpu.memory_space<hbm>> -> memref<16xi32, #tpu.memory_space<hbm>>
      tpu.wait_dma2 semaphore(%run_scoped3A : memref<!tpu.dma_semaphore, #tpu.memory_space<semaphore_mem>>) src(%dma_wait3A_144 : memref<16xi32, #tpu.memory_space<hbm>>) dst(%arg11 : memref<16xi32, #tpu.memory_space<vmem>>)
      tpu.yield
    }) : () -> ()
    %iota3A = tpu.iota {dimensions = array<i32: 0>} : vector<16xi32>
    %eq3A_38 = arith.constant 0 : i32
    %eq3A_39 = vector.broadcast %eq3A_38 : i32 to vector<16xi32>
    %eq3A_40 = arith.cmpi eq, %iota3A, %eq3A_39 : vector<16xi32>
    %get3A = arith.constant 0 : index
    %get3A_41 = tpu.vector_load %arg11[%get3A] {strides = array<i32>} : memref<16xi32, #tpu.memory_space<vmem>>, vector<16xi32>,
    %get3A_42 = vector.shape_cast %get3A_41 : vector<16xi32> to vector<16xi32>
    %jit3A_43 = arith.constant 0 : i32
    %broadcast_in_dim3A = vector.broadcast %jit3A_43 : i32 to vector<16xi32>
    %select_n3A_44 = arith.select %eq3A_40, %get3A_42, %broadcast_in_dim3A : vector<16xi1>, vector<16xi32>
    %iota3A_45 = tpu.iota {dimensions = array<i32: 0>} : vector<16xi32>
    %sub3A_46 = arith.constant 1 : i32
    %sub3A_47 = vector.broadcast %sub3A_46 : i32 to vector<16xi32>
    %sub3A_48 = arith.subi %iota3A_45, %sub3A_47 : vector<16xi32>
    %max3A = arith.constant 0 : i32
    %max3A_49 = vector.broadcast %max3A : i32 to vector<16xi32>
    %max3A_50 = arith.maxsi %sub3A_48, %max3A_49 : vector<16xi32>
    %lt3A_51 = arith.constant 0 : i32
    %lt3A_52 = vector.broadcast %lt3A_51 : i32 to vector<16xi32>
    %lt3A_53 = arith.cmpi slt, %max3A_50, %lt3A_52 : vector<16xi32>
    %add3A_54 = arith.constant 16 : i32
    %add3A_55 = vector.broadcast %add3A_54 : i32 to vector<16xi32>
    %add3A_56 = arith.addi %max3A_50, %add3A_55 : vector<16xi32>
    %select_n3A_57 = arith.select %lt3A_53, %add3A_56, %max3A_50 : vector<16xi1>, vector<16xi32>
    %broadcast_in_dim3A_58 = vector.shape_cast %select_n3A_57 : vector<16xi32> to vector<16x1xi32>
    %gather3A = vector.shape_cast %broadcast_in_dim3A_58 : vector<16x1xi32> to vector<16xi32>
    %gather3A_59 = tpu.dynamic_gather %select_n3A_44[%gather3A] in [0] : vector<16xi32>, vector<16xi32> -> vector<16xi32>
    %ge3A = arith.constant 1 : i32
    %ge3A_60 = vector.broadcast %ge3A : i32 to vector<16xi32>
    %ge3A_61 = arith.cmpi sge, %iota3A_45, %ge3A_60 : vector<16xi32>
    %jit3A_62 = arith.constant 0 : i32
    %broadcast_in_dim3A_63 = vector.broadcast %jit3A_62 : i32 to vector<16xi32>
    %select_n3A_64 = arith.select %ge3A_61, %gather3A_59, %broadcast_in_dim3A_63 : vector<16xi1>, vector<16xi32>
    %add3A_65 = arith.addi %select_n3A_44, %select_n3A_64 : vector<16xi32>
    %sub3A_66 = arith.constant 2 : i32
    %sub3A_67 = vector.broadcast %sub3A_66 : i32 to vector<16xi32>
    %sub3A_68 = arith.subi %iota3A_45, %sub3A_67 : vector<16xi32>
    %max3A_69 = arith.constant 0 : i32
    %max3A_70 = vector.broadcast %max3A_69 : i32 to vector<16xi32>
    %max3A_71 = arith.maxsi %sub3A_68, %max3A_70 : vector<16xi32>
    %lt3A_72 = arith.constant 0 : i32
    %lt3A_73 = vector.broadcast %lt3A_72 : i32 to vector<16xi32>
    %lt3A_74 = arith.cmpi slt, %max3A_71, %lt3A_73 : vector<16xi32>
    %add3A_75 = arith.constant 16 : i32
    %add3A_76 = vector.broadcast %add3A_75 : i32 to vector<16xi32>
    %add3A_77 = arith.addi %max3A_71, %add3A_76 : vector<16xi32>
    %select_n3A_78 = arith.select %lt3A_74, %add3A_77, %max3A_71 : vector<16xi1>, vector<16xi32>
    %broadcast_in_dim3A_79 = vector.shape_cast %select_n3A_78 : vector<16xi32> to vector<16x1xi32>
    %gather3A_80 = vector.shape_cast %broadcast_in_dim3A_79 : vector<16x1xi32> to vector<16xi32>
    %gather3A_81 = tpu.dynamic_gather %add3A_65[%gather3A_80] in [0] : vector<16xi32>, vector<16xi32> -> vector<16xi32>
    %ge3A_82 = arith.constant 2 : i32
    %ge3A_83 = vector.broadcast %ge3A_82 : i32 to vector<16xi32>
    %ge3A_84 = arith.cmpi sge, %iota3A_45, %ge3A_83 : vector<16xi32>
    %jit3A_85 = arith.constant 0 : i32
    %broadcast_in_dim3A_86 = vector.broadcast %jit3A_85 : i32 to vector<16xi32>
    %select_n3A_87 = arith.select %ge3A_84, %gather3A_81, %broadcast_in_dim3A_86 : vector<16xi1>, vector<16xi32>
    %add3A_88 = arith.addi %add3A_65, %select_n3A_87 : vector<16xi32>
    %sub3A_89 = arith.constant 4 : i32
    %sub3A_90 = vector.broadcast %sub3A_89 : i32 to vector<16xi32>
    %sub3A_91 = arith.subi %iota3A_45, %sub3A_90 : vector<16xi32>
    %max3A_92 = arith.constant 0 : i32
    %max3A_93 = vector.broadcast %max3A_92 : i32 to vector<16xi32>
    %max3A_94 = arith.maxsi %sub3A_91, %max3A_93 : vector<16xi32>
    %lt3A_95 = arith.constant 0 : i32
    %lt3A_96 = vector.broadcast %lt3A_95 : i32 to vector<16xi32>
    %lt3A_97 = arith.cmpi slt, %max3A_94, %lt3A_96 : vector<16xi32>
    %add3A_98 = arith.constant 16 : i32
    %add3A_99 = vector.broadcast %add3A_98 : i32 to vector<16xi32>
    %add3A_100 = arith.addi %max3A_94, %add3A_99 : vector<16xi32>
    %select_n3A_101 = arith.select %lt3A_97, %add3A_100, %max3A_94 : vector<16xi1>, vector<16xi32>
    %broadcast_in_dim3A_102 = vector.shape_cast %select_n3A_101 : vector<16xi32> to vector<16x1xi32>
    %gather3A_103 = vector.shape_cast %broadcast_in_dim3A_102 : vector<16x1xi32> to vector<16xi32>
    %gather3A_104 = tpu.dynamic_gather %add3A_88[%gather3A_103] in [0] : vector<16xi32>, vector<16xi32> -> vector<16xi32>
    %ge3A_105 = arith.constant 4 : i32
    %ge3A_106 = vector.broadcast %ge3A_105 : i32 to vector<16xi32>
    %ge3A_107 = arith.cmpi sge, %iota3A_45, %ge3A_106 : vector<16xi32>
    %jit3A_108 = arith.constant 0 : i32
    %broadcast_in_dim3A_109 = vector.broadcast %jit3A_108 : i32 to vector<16xi32>
    %select_n3A_110 = arith.select %ge3A_107, %gather3A_104, %broadcast_in_dim3A_109 : vector<16xi1>, vector<16xi32>
    %add3A_111 = arith.addi %add3A_88, %select_n3A_110 : vector<16xi32>
    %sub3A_112 = arith.constant 8 : i32
    %sub3A_113 = vector.broadcast %sub3A_112 : i32 to vector<16xi32>
    %sub3A_114 = arith.subi %iota3A_45, %sub3A_113 : vector<16xi32>
    %max3A_115 = arith.constant 0 : i32
    %max3A_116 = vector.broadcast %max3A_115 : i32 to vector<16xi32>
    %max3A_117 = arith.maxsi %sub3A_114, %max3A_116 : vector<16xi32>
    %lt3A_118 = arith.constant 0 : i32
    %lt3A_119 = vector.broadcast %lt3A_118 : i32 to vector<16xi32>
    %lt3A_120 = arith.cmpi slt, %max3A_117, %lt3A_119 : vector<16xi32>
    %add3A_121 = arith.constant 16 : i32
    %add3A_122 = vector.broadcast %add3A_121 : i32 to vector<16xi32>
    %add3A_123 = arith.addi %max3A_117, %add3A_122 : vector<16xi32>
    %select_n3A_124 = arith.select %lt3A_120, %add3A_123, %max3A_117 : vector<16xi1>, vector<16xi32>
    %broadcast_in_dim3A_125 = vector.shape_cast %select_n3A_124 : vector<16xi32> to vector<16x1xi32>
    %gather3A_126 = vector.shape_cast %broadcast_in_dim3A_125 : vector<16x1xi32> to vector<16xi32>
    %gather3A_127 = tpu.dynamic_gather %add3A_111[%gather3A_126] in [0] : vector<16xi32>, vector<16xi32> -> vector<16xi32>
    %ge3A_128 = arith.constant 8 : i32
    %ge3A_129 = vector.broadcast %ge3A_128 : i32 to vector<16xi32>
    %ge3A_130 = arith.cmpi sge, %iota3A_45, %ge3A_129 : vector<16xi32>
    %jit3A_131 = arith.constant 0 : i32
    %broadcast_in_dim3A_132 = vector.broadcast %jit3A_131 : i32 to vector<16xi32>
    %select_n3A_133 = arith.select %ge3A_130, %gather3A_127, %broadcast_in_dim3A_132 : vector<16xi1>, vector<16xi32>
    %add3A_134 = arith.addi %add3A_111, %select_n3A_133 : vector<16xi32>
    %slice3A = vector.extract_strided_slice %add3A_134 {offsets = [15], sizes = [1], strides = [1]} : vector<16xi32> to vector<1xi32>
    %squeeze3A = vector.extract %slice3A[0] : i32 from vector<1xi32>
    %eq3A_135 = arith.constant 4096 : i32
    %eq3A_136 = arith.cmpi eq, %squeeze3A, %eq3A_135 : i32
    %convert_element_type3A = arith.extui %eq3A_136 : i1 to i32
    %cond3A = arith.constant 0 : i32
    %cond3A_137 = arith.cmpi ne, %convert_element_type3A, %cond3A : i32
    scf.if %cond3A_137 {
      %dma_start3A = arith.constant 0 : i32
      %dma_start3A_143 = arith.constant 0 : i32
      %dma_start3A_144 = arith.constant 0 : i32
      %dma_start3A_145 = tpu.memref_slice %arg9[%dma_start3A, %dma_start3A_143, %dma_start3A_144] : memref<2x64x512xf32, #tpu.memory_space<vmem>> -> memref<1x64x512xf32, #tpu.memory_space<vmem>>
      %dma_start3A_146 = tpu.memref_squeeze %dma_start3A_145 : memref<1x64x512xf32, #tpu.memory_space<vmem>> -> memref<64x512xf32, #tpu.memory_space<vmem>>
      %dma_start3A_147 = arith.constant 0 : i32
      %dma_start3A_148 = tpu.memref_slice %arg2[%add3A_35, %dma_start3A_147] : memref<32768x512xf32, #tpu.memory_space<hbm>> -> memref<64x512xf32, #tpu.memory_space<hbm>>
      %dma_start3A_149 = arith.constant 0 : i32
      %dma_start3A_150 = arith.constant 0 : i32
      %dma_start3A_151 = tpu.memref_slice %arg9[%dma_start3A, %dma_start3A_149, %dma_start3A_150] : memref<2x64x512xf32, #tpu.memory_space<vmem>> -> memref<1x64x512xf32, #tpu.memory_space<vmem>>
      %dma_start3A_152 = tpu.memref_squeeze %dma_start3A_151 : memref<1x64x512xf32, #tpu.memory_space<vmem>> -> memref<64x512xf32, #tpu.memory_space<vmem>>
      %dma_start3A_153 = arith.constant 0 : i32
      %dma_start3A_154 = tpu.memref_slice %arg2[%add3A_35, %dma_start3A_153] : memref<32768x512xf32, #tpu.memory_space<hbm>> -> memref<64x512xf32, #tpu.memory_space<hbm>>
      tpu.enqueue_dma source(%dma_start3A_154 : memref<64x512xf32, #tpu.memory_space<hbm>>) target(%dma_start3A_152 : memref<64x512xf32, #tpu.memory_space<vmem>>) target_semaphore(%arg13 : memref<!tpu.dma_semaphore, #tpu.memory_space<semaphore_mem>>)
      %scan3A = arith.constant 0 : i32
      %scan3A_155 = arith.constant 0 : i32
      %scan3A_156 = arith.constant 16 : i32
      %scan3A_157 = arith.addi %scan3A_155, %scan3A_156 : i32
      %scan3A_158 = arith.constant 1 : i32
      %scan3A_159 = scf.for %scan3A_175 = %scan3A_155 to %scan3A_157 step %scan3A_158 iter_args(%scan3A_176 = %scan3A) -> (i32)  : i32 {
        %jit3A_177 = arith.constant 2 : i32
        %eq3A_178 = arith.constant 0 : i32
        %eq3A_179 = arith.cmpi eq, %jit3A_177, %eq3A_178 : i32
        %jit3A_180 = arith.constant 1 : i32
        %select_n3A_181 = arith.select %eq3A_179, %jit3A_180, %jit3A_177 : i32
        %rem3A_182 = arith.remsi %scan3A_175, %select_n3A_181 : i32
        %ne3A_183 = arith.constant 0 : i32
        %ne3A_184 = arith.cmpi ne, %rem3A_182, %ne3A_183 : i32
        %lt3A_185 = arith.constant 0 : i32
        %lt3A_186 = arith.cmpi slt, %rem3A_182, %lt3A_185 : i32
        %lt3A_187 = arith.constant 0 : i32
        %lt3A_188 = arith.cmpi slt, %select_n3A_181, %lt3A_187 : i32
        %ne3A_189 = arith.xori %lt3A_186, %lt3A_188 : i1
        %and3A_190 = arith.andi %ne3A_189, %ne3A_184 : i1
        %add3A_191 = arith.addi %rem3A_182, %select_n3A_181 : i32
        %select_n3A_192 = arith.select %and3A_190, %add3A_191, %rem3A_182 : i32
        %add3A_193 = arith.constant 1 : i32
        %add3A_194 = arith.addi %scan3A_175, %add3A_193 : i32
        %jit3A_195 = arith.constant 2 : i32
        %eq3A_196 = arith.constant 0 : i32
        %eq3A_197 = arith.cmpi eq, %jit3A_195, %eq3A_196 : i32
        %jit3A_198 = arith.constant 1 : i32
        %select_n3A_199 = arith.select %eq3A_197, %jit3A_198, %jit3A_195 : i32
        %rem3A_200 = arith.remsi %add3A_194, %select_n3A_199 : i32
        %ne3A_201 = arith.constant 0 : i32
        %ne3A_202 = arith.cmpi ne, %rem3A_200, %ne3A_201 : i32
        %lt3A_203 = arith.constant 0 : i32
        %lt3A_204 = arith.cmpi slt, %rem3A_200, %lt3A_203 : i32
        %lt3A_205 = arith.constant 0 : i32
        %lt3A_206 = arith.cmpi slt, %select_n3A_199, %lt3A_205 : i32
        %ne3A_207 = arith.xori %lt3A_204, %lt3A_206 : i1
        %and3A_208 = arith.andi %ne3A_207, %ne3A_202 : i1
        %add3A_209 = arith.addi %rem3A_200, %select_n3A_199 : i32
        %select_n3A_210 = arith.select %and3A_208, %add3A_209, %rem3A_200 : i32
        %gt3A = arith.constant 0 : i32
        %gt3A_211 = arith.cmpi sgt, %scan3A_175, %gt3A : i32
        %convert_element_type3A_212 = arith.extui %gt3A_211 : i1 to i32
        %cond3A_213 = arith.constant 0 : i32
        %cond3A_214 = arith.cmpi ne, %convert_element_type3A_212, %cond3A_213 : i32
        scf.if %cond3A_214 {
          %sub3A_250 = arith.constant 1 : i32
          %sub3A_251 = arith.subi %scan3A_175, %sub3A_250 : i32
          %mul3A_252 = arith.constant 64 : i32
          %mul3A_253 = arith.muli %sub3A_251, %mul3A_252 : i32
          %add3A_254 = arith.addi %add3A_35, %mul3A_253 : i32
          %dma_wait3A_255 = arith.constant 0 : i32
          %dma_wait3A_256 = arith.constant 0 : i32
          %dma_wait3A_257 = tpu.memref_slice %arg9[%select_n3A_210, %dma_wait3A_255, %dma_wait3A_256] : memref<2x64x512xf32, #tpu.memory_space<vmem>> -> memref<1x64x512xf32, #tpu.memory_space<vmem>>
          %dma_wait3A_258 = tpu.memref_squeeze %dma_wait3A_257 : memref<1x64x512xf32, #tpu.memory_space<vmem>> -> memref<64x512xf32, #tpu.memory_space<vmem>>
          %dma_wait3A_259 = arith.constant 0 : i32
          %dma_wait3A_260 = tpu.memref_slice %arg6[%add3A_254, %dma_wait3A_259] : memref<32768x512xf32, #tpu.memory_space<hbm>> -> memref<64x512xf32, #tpu.memory_space<hbm>>
          %dma_wait3A_261 = arith.constant 0 : i32
          %dma_wait3A_262 = tpu.memref_slice %arg6[%add3A_254, %dma_wait3A_261] : memref<32768x512xf32, #tpu.memory_space<hbm>> -> memref<64x512xf32, #tpu.memory_space<hbm>>
          %dma_wait3A_263 = arith.constant 0 : i32
          %dma_wait3A_264 = arith.constant 0 : i32
          %dma_wait3A_265 = tpu.memref_slice %arg9[%select_n3A_210, %dma_wait3A_263, %dma_wait3A_264] : memref<2x64x512xf32, #tpu.memory_space<vmem>> -> memref<1x64x512xf32, #tpu.memory_space<vmem>>
          %dma_wait3A_266 = tpu.memref_squeeze %dma_wait3A_265 : memref<1x64x512xf32, #tpu.memory_space<vmem>> -> memref<64x512xf32, #tpu.memory_space<vmem>>
          tpu.wait_dma2 semaphore(%arg14 : memref<!tpu.dma_semaphore, #tpu.memory_space<semaphore_mem>>) src(%dma_wait3A_266 : memref<64x512xf32, #tpu.memory_space<vmem>>) dst(%dma_wait3A_262 : memref<64x512xf32, #tpu.memory_space<hbm>>)
        } else {
        }
        %add3A_215 = arith.constant 1 : i32
        %add3A_216 = arith.addi %scan3A_175, %add3A_215 : i32
        %lt3A_217 = arith.constant 16 : i32
        %lt3A_218 = arith.cmpi slt, %add3A_216, %lt3A_217 : i32
        %convert_element_type3A_219 = arith.extui %lt3A_218 : i1 to i32
        %cond3A_220 = arith.constant 0 : i32
        %cond3A_221 = arith.cmpi ne, %convert_element_type3A_219, %cond3A_220 : i32
        scf.if %cond3A_221 {
          %add3A_250 = arith.constant 1 : i32
          %add3A_251 = arith.addi %scan3A_175, %add3A_250 : i32
          %mul3A_252 = arith.constant 64 : i32
          %mul3A_253 = arith.muli %add3A_251, %mul3A_252 : i32
          %add3A_254 = arith.addi %add3A_35, %mul3A_253 : i32
          %dma_start3A_255 = arith.constant 0 : i32
          %dma_start3A_256 = arith.constant 0 : i32
          %dma_start3A_257 = tpu.memref_slice %arg9[%select_n3A_210, %dma_start3A_255, %dma_start3A_256] : memref<2x64x512xf32, #tpu.memory_space<vmem>> -> memref<1x64x512xf32, #tpu.memory_space<vmem>>
          %dma_start3A_258 = tpu.memref_squeeze %dma_start3A_257 : memref<1x64x512xf32, #tpu.memory_space<vmem>> -> memref<64x512xf32, #tpu.memory_space<vmem>>
          %dma_start3A_259 = arith.constant 0 : i32
          %dma_start3A_260 = tpu.memref_slice %arg2[%add3A_254, %dma_start3A_259] : memref<32768x512xf32, #tpu.memory_space<hbm>> -> memref<64x512xf32, #tpu.memory_space<hbm>>
          %dma_start3A_261 = arith.constant 0 : i32
          %dma_start3A_262 = arith.constant 0 : i32
          %dma_start3A_263 = tpu.memref_slice %arg9[%select_n3A_210, %dma_start3A_261, %dma_start3A_262] : memref<2x64x512xf32, #tpu.memory_space<vmem>> -> memref<1x64x512xf32, #tpu.memory_space<vmem>>
          %dma_start3A_264 = tpu.memref_squeeze %dma_start3A_263 : memref<1x64x512xf32, #tpu.memory_space<vmem>> -> memref<64x512xf32, #tpu.memory_space<vmem>>
          %dma_start3A_265 = arith.constant 0 : i32
          %dma_start3A_266 = tpu.memref_slice %arg2[%add3A_254, %dma_start3A_265] : memref<32768x512xf32, #tpu.memory_space<hbm>> -> memref<64x512xf32, #tpu.memory_space<hbm>>
          tpu.enqueue_dma source(%dma_start3A_266 : memref<64x512xf32, #tpu.memory_space<hbm>>) target(%dma_start3A_264 : memref<64x512xf32, #tpu.memory_space<vmem>>) target_semaphore(%arg13 : memref<!tpu.dma_semaphore, #tpu.memory_space<semaphore_mem>>)
        } else {
        }
        %dma_wait3A_222 = arith.constant 0 : i32
        %dma_wait3A_223 = arith.constant 0 : i32
        %dma_wait3A_224 = tpu.memref_slice %arg9[%select_n3A_192, %dma_wait3A_222, %dma_wait3A_223] : memref<2x64x512xf32, #tpu.memory_space<vmem>> -> memref<1x64x512xf32, #tpu.memory_space<vmem>>
        %dma_wait3A_225 = tpu.memref_squeeze %dma_wait3A_224 : memref<1x64x512xf32, #tpu.memory_space<vmem>> -> memref<64x512xf32, #tpu.memory_space<vmem>>
        %dma_wait3A_226 = arith.constant 0 : i32
        %dma_wait3A_227 = tpu.memref_slice %arg2[%add3A_35, %dma_wait3A_226] : memref<32768x512xf32, #tpu.memory_space<hbm>> -> memref<64x512xf32, #tpu.memory_space<hbm>>
        %dma_wait3A_228 = arith.constant 0 : i32
        %dma_wait3A_229 = arith.constant 0 : i32
        %dma_wait3A_230 = tpu.memref_slice %arg9[%select_n3A_192, %dma_wait3A_228, %dma_wait3A_229] : memref<2x64x512xf32, #tpu.memory_space<vmem>> -> memref<1x64x512xf32, #tpu.memory_space<vmem>>
        %dma_wait3A_231 = tpu.memref_squeeze %dma_wait3A_230 : memref<1x64x512xf32, #tpu.memory_space<vmem>> -> memref<64x512xf32, #tpu.memory_space<vmem>>
        %dma_wait3A_232 = arith.constant 0 : i32
        %dma_wait3A_233 = tpu.memref_slice %arg2[%add3A_35, %dma_wait3A_232] : memref<32768x512xf32, #tpu.memory_space<hbm>> -> memref<64x512xf32, #tpu.memory_space<hbm>>
        tpu.wait_dma2 semaphore(%arg13 : memref<!tpu.dma_semaphore, #tpu.memory_space<semaphore_mem>>) src(%dma_wait3A_233 : memref<64x512xf32, #tpu.memory_space<hbm>>) dst(%dma_wait3A_231 : memref<64x512xf32, #tpu.memory_space<vmem>>)
        %mul3A_234 = arith.constant 64 : i32
        %mul3A_235 = arith.muli %scan3A_175, %mul3A_234 : i32
        %add3A_236 = arith.addi %add3A_35, %mul3A_235 : i32
        %dma_start3A_237 = arith.constant 0 : i32
        %dma_start3A_238 = arith.constant 0 : i32
        %dma_start3A_239 = tpu.memref_slice %arg9[%select_n3A_192, %dma_start3A_237, %dma_start3A_238] : memref<2x64x512xf32, #tpu.memory_space<vmem>> -> memref<1x64x512xf32, #tpu.memory_space<vmem>>
        %dma_start3A_240 = tpu.memref_squeeze %dma_start3A_239 : memref<1x64x512xf32, #tpu.memory_space<vmem>> -> memref<64x512xf32, #tpu.memory_space<vmem>>
        %dma_start3A_241 = arith.constant 0 : i32
        %dma_start3A_242 = tpu.memref_slice %arg6[%add3A_236, %dma_start3A_241] : memref<32768x512xf32, #tpu.memory_space<hbm>> -> memref<64x512xf32, #tpu.memory_space<hbm>>
        %dma_start3A_243 = arith.constant 0 : i32
        %dma_start3A_244 = tpu.memref_slice %arg6[%add3A_236, %dma_start3A_243] : memref<32768x512xf32, #tpu.memory_space<hbm>> -> memref<64x512xf32, #tpu.memory_space<hbm>>
        %dma_start3A_245 = arith.constant 0 : i32
        %dma_start3A_246 = arith.constant 0 : i32
        %dma_start3A_247 = tpu.memref_slice %arg9[%select_n3A_192, %dma_start3A_245, %dma_start3A_246] : memref<2x64x512xf32, #tpu.memory_space<vmem>> -> memref<1x64x512xf32, #tpu.memory_space<vmem>>
        %dma_start3A_248 = tpu.memref_squeeze %dma_start3A_247 : memref<1x64x512xf32, #tpu.memory_space<vmem>> -> memref<64x512xf32, #tpu.memory_space<vmem>>
        tpu.enqueue_dma source(%dma_start3A_248 : memref<64x512xf32, #tpu.memory_space<vmem>>) target(%dma_start3A_244 : memref<64x512xf32, #tpu.memory_space<hbm>>) target_semaphore(%arg14 : memref<!tpu.dma_semaphore, #tpu.memory_space<semaphore_mem>>)
        %scan3A_249 = arith.constant 0 : i32
        scf.yield %scan3A_249 : i32
      }
      %scan3A_160 = arith.constant 16 : i32
      %add3A_161 = arith.constant 960 : i32
      %add3A_162 = arith.addi %add3A_35, %add3A_161 : i32
      %dma_wait3A = arith.constant 1 : i32
      %dma_wait3A_163 = arith.constant 0 : i32
      %dma_wait3A_164 = arith.constant 0 : i32
      %dma_wait3A_165 = tpu.memref_slice %arg9[%dma_wait3A, %dma_wait3A_163, %dma_wait3A_164] : memref<2x64x512xf32, #tpu.memory_space<vmem>> -> memref<1x64x512xf32, #tpu.memory_space<vmem>>
      %dma_wait3A_166 = tpu.memref_squeeze %dma_wait3A_165 : memref<1x64x512xf32, #tpu.memory_space<vmem>> -> memref<64x512xf32, #tpu.memory_space<vmem>>
      %dma_wait3A_167 = arith.constant 0 : i32
      %dma_wait3A_168 = tpu.memref_slice %arg6[%add3A_162, %dma_wait3A_167] : memref<32768x512xf32, #tpu.memory_space<hbm>> -> memref<64x512xf32, #tpu.memory_space<hbm>>
      %dma_wait3A_169 = arith.constant 0 : i32
      %dma_wait3A_170 = tpu.memref_slice %arg6[%add3A_162, %dma_wait3A_169] : memref<32768x512xf32, #tpu.memory_space<hbm>> -> memref<64x512xf32, #tpu.memory_space<hbm>>
      %dma_wait3A_171 = arith.constant 0 : i32
      %dma_wait3A_172 = arith.constant 0 : i32
      %dma_wait3A_173 = tpu.memref_slice %arg9[%dma_wait3A, %dma_wait3A_171, %dma_wait3A_172] : memref<2x64x512xf32, #tpu.memory_space<vmem>> -> memref<1x64x512xf32, #tpu.memory_space<vmem>>
      %dma_wait3A_174 = tpu.memref_squeeze %dma_wait3A_173 : memref<1x64x512xf32, #tpu.memory_space<vmem>> -> memref<64x512xf32, #tpu.memory_space<vmem>>
      tpu.wait_dma2 semaphore(%arg14 : memref<!tpu.dma_semaphore, #tpu.memory_space<semaphore_mem>>) src(%dma_wait3A_174 : memref<64x512xf32, #tpu.memory_space<vmem>>) dst(%dma_wait3A_170 : memref<64x512xf32, #tpu.memory_space<hbm>>)
    } else {
    }
    %lt3A_138 = arith.constant 4096 : i32
    %lt3A_139 = arith.cmpi slt, %squeeze3A, %lt3A_138 : i32
    %convert_element_type3A_140 = arith.extui %lt3A_139 : i1 to i32
    %cond3A_141 = arith.constant 0 : i32
    %cond3A_142 = arith.cmpi ne, %convert_element_type3A_140, %cond3A_141 : i32
    scf.if %cond3A_142 {
      "tpu.region"() ({
        %run_scoped3A_214 = tpu.sem_alloc : memref<!tpu.dma_semaphore, #tpu.memory_space<semaphore_mem>>
        %dma_start3A_215 = tpu.memref_slice %arg3[%mul3A_32] : memref<32768xi32, #tpu.memory_space<hbm>> -> memref<4096xi32, #tpu.memory_space<hbm>>
        %dma_start3A_216 = tpu.memref_slice %arg3[%mul3A_32] : memref<32768xi32, #tpu.memory_space<hbm>> -> memref<4096xi32, #tpu.memory_space<hbm>>
        tpu.enqueue_dma source(%dma_start3A_216 : memref<4096xi32, #tpu.memory_space<hbm>>) target(%arg7 : memref<4096xi32, #tpu.memory_space<vmem>>) target_semaphore(%run_scoped3A_214 : memref<!tpu.dma_semaphore, #tpu.memory_space<semaphore_mem>>)
        %dma_wait3A_217 = tpu.memref_slice %arg3[%mul3A_32] : memref<32768xi32, #tpu.memory_space<hbm>> -> memref<4096xi32, #tpu.memory_space<hbm>>
        %dma_wait3A_218 = tpu.memref_slice %arg3[%mul3A_32] : memref<32768xi32, #tpu.memory_space<hbm>> -> memref<4096xi32, #tpu.memory_space<hbm>>
        tpu.wait_dma2 semaphore(%run_scoped3A_214 : memref<!tpu.dma_semaphore, #tpu.memory_space<semaphore_mem>>) src(%dma_wait3A_218 : memref<4096xi32, #tpu.memory_space<hbm>>) dst(%arg7 : memref<4096xi32, #tpu.memory_space<vmem>>)
        tpu.yield
      }) : () -> ()
      %run_scoped3A = arith.constant 0 : i32
      "tpu.region"() ({
        %run_scoped3A_214 = tpu.sem_alloc : memref<!tpu.dma_semaphore, #tpu.memory_space<semaphore_mem>>
        %dma_start3A_215 = arith.constant 0 : i32
        %dma_start3A_216 = tpu.memref_slice %arg5[%run_scoped3A, %dma_start3A_215] : memref<1x512xf32, #tpu.memory_space<hbm>> -> memref<1x512xf32, #tpu.memory_space<hbm>>
        %dma_start3A_217 = tpu.memref_squeeze %dma_start3A_216 : memref<1x512xf32, #tpu.memory_space<hbm>> -> memref<512xf32, #tpu.memory_space<hbm>>
        %dma_start3A_218 = arith.constant 0 : i32
        %dma_start3A_219 = tpu.memref_slice %arg5[%run_scoped3A, %dma_start3A_218] : memref<1x512xf32, #tpu.memory_space<hbm>> -> memref<1x512xf32, #tpu.memory_space<hbm>>
        %dma_start3A_220 = tpu.memref_squeeze %dma_start3A_219 : memref<1x512xf32, #tpu.memory_space<hbm>> -> memref<512xf32, #tpu.memory_space<hbm>>
        tpu.enqueue_dma source(%dma_start3A_220 : memref<512xf32, #tpu.memory_space<hbm>>) target(%arg10 : memref<512xf32, #tpu.memory_space<vmem>>) target_semaphore(%run_scoped3A_214 : memref<!tpu.dma_semaphore, #tpu.memory_space<semaphore_mem>>)
        %dma_wait3A_221 = arith.constant 0 : i32
        %dma_wait3A_222 = tpu.memref_slice %arg5[%run_scoped3A, %dma_wait3A_221] : memref<1x512xf32, #tpu.memory_space<hbm>> -> memref<1x512xf32, #tpu.memory_space<hbm>>
        %dma_wait3A_223 = tpu.memref_squeeze %dma_wait3A_222 : memref<1x512xf32, #tpu.memory_space<hbm>> -> memref<512xf32, #tpu.memory_space<hbm>>
        %dma_wait3A_224 = arith.constant 0 : i32
        %dma_wait3A_225 = tpu.memref_slice %arg5[%run_scoped3A, %dma_wait3A_224] : memref<1x512xf32, #tpu.memory_space<hbm>> -> memref<1x512xf32, #tpu.memory_space<hbm>>
        %dma_wait3A_226 = tpu.memref_squeeze %dma_wait3A_225 : memref<1x512xf32, #tpu.memory_space<hbm>> -> memref<512xf32, #tpu.memory_space<hbm>>
        tpu.wait_dma2 semaphore(%run_scoped3A_214 : memref<!tpu.dma_semaphore, #tpu.memory_space<semaphore_mem>>) src(%dma_wait3A_226 : memref<512xf32, #tpu.memory_space<hbm>>) dst(%arg10 : memref<512xf32, #tpu.memory_space<vmem>>)
        tpu.yield
      }) : () -> ()
      %jit3A_143 = arith.constant 16 : i32
      %div3A_144 = arith.divsi %mul3A_34, %jit3A_143 : i32
      %sign3A_145 = arith.constant 0 : i32
      %sign3A_146 = arith.cmpi sgt, %mul3A_34, %sign3A_145 : i32
      %sign3A_147 = arith.extui %sign3A_146 : i1 to i32
      %sign3A_148 = arith.constant 0 : i32
      %sign3A_149 = arith.cmpi slt, %mul3A_34, %sign3A_148 : i32
      %sign3A_150 = arith.extui %sign3A_149 : i1 to i32
      %sign3A_151 = arith.subi %sign3A_147, %sign3A_150 : i32
      %sign3A_152 = arith.constant 0 : i32
      %sign3A_153 = arith.cmpi sgt, %jit3A_143, %sign3A_152 : i32
      %sign3A_154 = arith.extui %sign3A_153 : i1 to i32
      %sign3A_155 = arith.constant 0 : i32
      %sign3A_156 = arith.cmpi slt, %jit3A_143, %sign3A_155 : i32
      %sign3A_157 = arith.extui %sign3A_156 : i1 to i32
      %sign3A_158 = arith.subi %sign3A_154, %sign3A_157 : i32
      %ne3A_159 = arith.cmpi ne, %sign3A_151, %sign3A_158 : i32
      %rem3A_160 = arith.remsi %mul3A_34, %jit3A_143 : i32
      %ne3A_161 = arith.constant 0 : i32
      %ne3A_162 = arith.cmpi ne, %rem3A_160, %ne3A_161 : i32
      %and3A_163 = arith.andi %ne3A_159, %ne3A_162 : i1
      %sub3A_164 = arith.constant 1 : i32
      %sub3A_165 = arith.subi %div3A_144, %sub3A_164 : i32
      %select_n3A_166 = arith.select %and3A_163, %sub3A_165, %div3A_144 : i32
      %while3A = arith.constant 0 : i32
      %while3A_167 = arith.constant 0 : i32
      %while3A_168 = arith.subi %select_n3A_166, %while3A : i32
      %while3A_169 = arith.addi %while3A, %while3A_168 : i32
      %while3A_170 = arith.constant 1 : i32
      %while3A_171 = arith.divsi %while3A_168, %while3A_170 : i32
      %while3A_172 = arith.muli %while3A_171, %while3A_170 : i32
      %while3A_173 = arith.addi %while3A, %while3A_172 : i32
      %while3A_174 = arith.constant 1 : i32
      %while3A_175 = scf.for %while3A_214 = %while3A to %while3A_173 step %while3A_174 iter_args(%while3A_215 = %while3A_167) -> (i32)  : i32 {
        %mul3A_216 = arith.constant 16 : i32
        %mul3A_217 = arith.muli %while3A_214, %mul3A_216 : i32
        %get3A_218 = arith.index_cast %mul3A_217 : i32 to index
        %get3A_219 = tpu.vector_load %arg7[%get3A_218] {strides = array<i32>} : memref<4096xi32, #tpu.memory_space<vmem>>, vector<16xi32>,
        %get3A_220 = vector.shape_cast %get3A_219 : vector<16xi32> to vector<16xi32>
        %iota3A_221 = tpu.iota {dimensions = array<i32: 0>} : vector<16xi32>
        %sub3A_222 = arith.constant 1 : i32
        %sub3A_223 = vector.broadcast %sub3A_222 : i32 to vector<16xi32>
        %sub3A_224 = arith.subi %iota3A_221, %sub3A_223 : vector<16xi32>
        %max3A_225 = arith.constant 0 : i32
        %max3A_226 = vector.broadcast %max3A_225 : i32 to vector<16xi32>
        %max3A_227 = arith.maxsi %sub3A_224, %max3A_226 : vector<16xi32>
        %lt3A_228 = arith.constant 0 : i32
        %lt3A_229 = vector.broadcast %lt3A_228 : i32 to vector<16xi32>
        %lt3A_230 = arith.cmpi slt, %max3A_227, %lt3A_229 : vector<16xi32>
        %add3A_231 = arith.constant 16 : i32
        %add3A_232 = vector.broadcast %add3A_231 : i32 to vector<16xi32>
        %add3A_233 = arith.addi %max3A_227, %add3A_232 : vector<16xi32>
        %select_n3A_234 = arith.select %lt3A_230, %add3A_233, %max3A_227 : vector<16xi1>, vector<16xi32>
        %broadcast_in_dim3A_235 = vector.shape_cast %select_n3A_234 : vector<16xi32> to vector<16x1xi32>
        %gather3A_236 = vector.shape_cast %broadcast_in_dim3A_235 : vector<16x1xi32> to vector<16xi32>
        %gather3A_237 = tpu.dynamic_gather %get3A_220[%gather3A_236] in [0] : vector<16xi32>, vector<16xi32> -> vector<16xi32>
        %ge3A_238 = arith.constant 1 : i32
        %ge3A_239 = vector.broadcast %ge3A_238 : i32 to vector<16xi32>
        %ge3A_240 = arith.cmpi sge, %iota3A_221, %ge3A_239 : vector<16xi32>
        %jit3A_241 = arith.constant 0 : i32
        %broadcast_in_dim3A_242 = vector.broadcast %jit3A_241 : i32 to vector<16xi32>
        %select_n3A_243 = arith.select %ge3A_240, %gather3A_237, %broadcast_in_dim3A_242 : vector<16xi1>, vector<16xi32>
        %add3A_244 = arith.addi %get3A_220, %select_n3A_243 : vector<16xi32>
        %sub3A_245 = arith.constant 2 : i32
        %sub3A_246 = vector.broadcast %sub3A_245 : i32 to vector<16xi32>
        %sub3A_247 = arith.subi %iota3A_221, %sub3A_246 : vector<16xi32>
        %max3A_248 = arith.constant 0 : i32
        %max3A_249 = vector.broadcast %max3A_248 : i32 to vector<16xi32>
        %max3A_250 = arith.maxsi %sub3A_247, %max3A_249 : vector<16xi32>
        %lt3A_251 = arith.constant 0 : i32
        %lt3A_252 = vector.broadcast %lt3A_251 : i32 to vector<16xi32>
        %lt3A_253 = arith.cmpi slt, %max3A_250, %lt3A_252 : vector<16xi32>
        %add3A_254 = arith.constant 16 : i32
        %add3A_255 = vector.broadcast %add3A_254 : i32 to vector<16xi32>
        %add3A_256 = arith.addi %max3A_250, %add3A_255 : vector<16xi32>
        %select_n3A_257 = arith.select %lt3A_253, %add3A_256, %max3A_250 : vector<16xi1>, vector<16xi32>
        %broadcast_in_dim3A_258 = vector.shape_cast %select_n3A_257 : vector<16xi32> to vector<16x1xi32>
        %gather3A_259 = vector.shape_cast %broadcast_in_dim3A_258 : vector<16x1xi32> to vector<16xi32>
        %gather3A_260 = tpu.dynamic_gather %add3A_244[%gather3A_259] in [0] : vector<16xi32>, vector<16xi32> -> vector<16xi32>
        %ge3A_261 = arith.constant 2 : i32
        %ge3A_262 = vector.broadcast %ge3A_261 : i32 to vector<16xi32>
        %ge3A_263 = arith.cmpi sge, %iota3A_221, %ge3A_262 : vector<16xi32>
        %jit3A_264 = arith.constant 0 : i32
        %broadcast_in_dim3A_265 = vector.broadcast %jit3A_264 : i32 to vector<16xi32>
        %select_n3A_266 = arith.select %ge3A_263, %gather3A_260, %broadcast_in_dim3A_265 : vector<16xi1>, vector<16xi32>
        %add3A_267 = arith.addi %add3A_244, %select_n3A_266 : vector<16xi32>
        %sub3A_268 = arith.constant 4 : i32
        %sub3A_269 = vector.broadcast %sub3A_268 : i32 to vector<16xi32>
        %sub3A_270 = arith.subi %iota3A_221, %sub3A_269 : vector<16xi32>
        %max3A_271 = arith.constant 0 : i32
        %max3A_272 = vector.broadcast %max3A_271 : i32 to vector<16xi32>
        %max3A_273 = arith.maxsi %sub3A_270, %max3A_272 : vector<16xi32>
        %lt3A_274 = arith.constant 0 : i32
        %lt3A_275 = vector.broadcast %lt3A_274 : i32 to vector<16xi32>
        %lt3A_276 = arith.cmpi slt, %max3A_273, %lt3A_275 : vector<16xi32>
        %add3A_277 = arith.constant 16 : i32
        %add3A_278 = vector.broadcast %add3A_277 : i32 to vector<16xi32>
        %add3A_279 = arith.addi %max3A_273, %add3A_278 : vector<16xi32>
        %select_n3A_280 = arith.select %lt3A_276, %add3A_279, %max3A_273 : vector<16xi1>, vector<16xi32>
        %broadcast_in_dim3A_281 = vector.shape_cast %select_n3A_280 : vector<16xi32> to vector<16x1xi32>
        %gather3A_282 = vector.shape_cast %broadcast_in_dim3A_281 : vector<16x1xi32> to vector<16xi32>
        %gather3A_283 = tpu.dynamic_gather %add3A_267[%gather3A_282] in [0] : vector<16xi32>, vector<16xi32> -> vector<16xi32>
        %ge3A_284 = arith.constant 4 : i32
        %ge3A_285 = vector.broadcast %ge3A_284 : i32 to vector<16xi32>
        %ge3A_286 = arith.cmpi sge, %iota3A_221, %ge3A_285 : vector<16xi32>
        %jit3A_287 = arith.constant 0 : i32
        %broadcast_in_dim3A_288 = vector.broadcast %jit3A_287 : i32 to vector<16xi32>
        %select_n3A_289 = arith.select %ge3A_286, %gather3A_283, %broadcast_in_dim3A_288 : vector<16xi1>, vector<16xi32>
        %add3A_290 = arith.addi %add3A_267, %select_n3A_289 : vector<16xi32>
        %sub3A_291 = arith.constant 8 : i32
        %sub3A_292 = vector.broadcast %sub3A_291 : i32 to vector<16xi32>
        %sub3A_293 = arith.subi %iota3A_221, %sub3A_292 : vector<16xi32>
        %max3A_294 = arith.constant 0 : i32
        %max3A_295 = vector.broadcast %max3A_294 : i32 to vector<16xi32>
        %max3A_296 = arith.maxsi %sub3A_293, %max3A_295 : vector<16xi32>
        %lt3A_297 = arith.constant 0 : i32
        %lt3A_298 = vector.broadcast %lt3A_297 : i32 to vector<16xi32>
        %lt3A_299 = arith.cmpi slt, %max3A_296, %lt3A_298 : vector<16xi32>
        %add3A_300 = arith.constant 16 : i32
        %add3A_301 = vector.broadcast %add3A_300 : i32 to vector<16xi32>
        %add3A_302 = arith.addi %max3A_296, %add3A_301 : vector<16xi32>
        %select_n3A_303 = arith.select %lt3A_299, %add3A_302, %max3A_296 : vector<16xi1>, vector<16xi32>
        %broadcast_in_dim3A_304 = vector.shape_cast %select_n3A_303 : vector<16xi32> to vector<16x1xi32>
        %gather3A_305 = vector.shape_cast %broadcast_in_dim3A_304 : vector<16x1xi32> to vector<16xi32>
        %gather3A_306 = tpu.dynamic_gather %add3A_290[%gather3A_305] in [0] : vector<16xi32>, vector<16xi32> -> vector<16xi32>
        %ge3A_307 = arith.constant 8 : i32
        %ge3A_308 = vector.broadcast %ge3A_307 : i32 to vector<16xi32>
        %ge3A_309 = arith.cmpi sge, %iota3A_221, %ge3A_308 : vector<16xi32>
        %jit3A_310 = arith.constant 0 : i32
        %broadcast_in_dim3A_311 = vector.broadcast %jit3A_310 : i32 to vector<16xi32>
        %select_n3A_312 = arith.select %ge3A_309, %gather3A_306, %broadcast_in_dim3A_311 : vector<16xi1>, vector<16xi32>
        %add3A_313 = arith.addi %add3A_290, %select_n3A_312 : vector<16xi32>
        %slice3A_314 = vector.extract_strided_slice %add3A_313 {offsets = [15], sizes = [1], strides = [1]} : vector<16xi32> to vector<1xi32>
        %squeeze3A_315 = vector.extract %slice3A_314[0] : i32 from vector<1xi32>
        %add3A_316 = arith.addi %while3A_215, %squeeze3A_315 : i32
        scf.yield %add3A_316 : i32
      }
      %while3A_176 = arith.constant 1 : i32
      %while3A_177 = scf.for %while3A_214 = %while3A_173 to %while3A_169 step %while3A_176 iter_args(%while3A_215 = %while3A_175) -> (i32)  : i32 {
        %mul3A_216 = arith.constant 16 : i32
        %mul3A_217 = arith.muli %while3A_214, %mul3A_216 : i32
        %get3A_218 = arith.index_cast %mul3A_217 : i32 to index
        %get3A_219 = tpu.vector_load %arg7[%get3A_218] {strides = array<i32>} : memref<4096xi32, #tpu.memory_space<vmem>>, vector<16xi32>,
        %get3A_220 = vector.shape_cast %get3A_219 : vector<16xi32> to vector<16xi32>
        %iota3A_221 = tpu.iota {dimensions = array<i32: 0>} : vector<16xi32>
        %sub3A_222 = arith.constant 1 : i32
        %sub3A_223 = vector.broadcast %sub3A_222 : i32 to vector<16xi32>
        %sub3A_224 = arith.subi %iota3A_221, %sub3A_223 : vector<16xi32>
        %max3A_225 = arith.constant 0 : i32
        %max3A_226 = vector.broadcast %max3A_225 : i32 to vector<16xi32>
        %max3A_227 = arith.maxsi %sub3A_224, %max3A_226 : vector<16xi32>
        %lt3A_228 = arith.constant 0 : i32
        %lt3A_229 = vector.broadcast %lt3A_228 : i32 to vector<16xi32>
        %lt3A_230 = arith.cmpi slt, %max3A_227, %lt3A_229 : vector<16xi32>
        %add3A_231 = arith.constant 16 : i32
        %add3A_232 = vector.broadcast %add3A_231 : i32 to vector<16xi32>
        %add3A_233 = arith.addi %max3A_227, %add3A_232 : vector<16xi32>
        %select_n3A_234 = arith.select %lt3A_230, %add3A_233, %max3A_227 : vector<16xi1>, vector<16xi32>
        %broadcast_in_dim3A_235 = vector.shape_cast %select_n3A_234 : vector<16xi32> to vector<16x1xi32>
        %gather3A_236 = vector.shape_cast %broadcast_in_dim3A_235 : vector<16x1xi32> to vector<16xi32>
        %gather3A_237 = tpu.dynamic_gather %get3A_220[%gather3A_236] in [0] : vector<16xi32>, vector<16xi32> -> vector<16xi32>
        %ge3A_238 = arith.constant 1 : i32
        %ge3A_239 = vector.broadcast %ge3A_238 : i32 to vector<16xi32>
        %ge3A_240 = arith.cmpi sge, %iota3A_221, %ge3A_239 : vector<16xi32>
        %jit3A_241 = arith.constant 0 : i32
        %broadcast_in_dim3A_242 = vector.broadcast %jit3A_241 : i32 to vector<16xi32>
        %select_n3A_243 = arith.select %ge3A_240, %gather3A_237, %broadcast_in_dim3A_242 : vector<16xi1>, vector<16xi32>
        %add3A_244 = arith.addi %get3A_220, %select_n3A_243 : vector<16xi32>
        %sub3A_245 = arith.constant 2 : i32
        %sub3A_246 = vector.broadcast %sub3A_245 : i32 to vector<16xi32>
        %sub3A_247 = arith.subi %iota3A_221, %sub3A_246 : vector<16xi32>
        %max3A_248 = arith.constant 0 : i32
        %max3A_249 = vector.broadcast %max3A_248 : i32 to vector<16xi32>
        %max3A_250 = arith.maxsi %sub3A_247, %max3A_249 : vector<16xi32>
        %lt3A_251 = arith.constant 0 : i32
        %lt3A_252 = vector.broadcast %lt3A_251 : i32 to vector<16xi32>
        %lt3A_253 = arith.cmpi slt, %max3A_250, %lt3A_252 : vector<16xi32>
        %add3A_254 = arith.constant 16 : i32
        %add3A_255 = vector.broadcast %add3A_254 : i32 to vector<16xi32>
        %add3A_256 = arith.addi %max3A_250, %add3A_255 : vector<16xi32>
        %select_n3A_257 = arith.select %lt3A_253, %add3A_256, %max3A_250 : vector<16xi1>, vector<16xi32>
        %broadcast_in_dim3A_258 = vector.shape_cast %select_n3A_257 : vector<16xi32> to vector<16x1xi32>
        %gather3A_259 = vector.shape_cast %broadcast_in_dim3A_258 : vector<16x1xi32> to vector<16xi32>
        %gather3A_260 = tpu.dynamic_gather %add3A_244[%gather3A_259] in [0] : vector<16xi32>, vector<16xi32> -> vector<16xi32>
        %ge3A_261 = arith.constant 2 : i32
        %ge3A_262 = vector.broadcast %ge3A_261 : i32 to vector<16xi32>
        %ge3A_263 = arith.cmpi sge, %iota3A_221, %ge3A_262 : vector<16xi32>
        %jit3A_264 = arith.constant 0 : i32
        %broadcast_in_dim3A_265 = vector.broadcast %jit3A_264 : i32 to vector<16xi32>
        %select_n3A_266 = arith.select %ge3A_263, %gather3A_260, %broadcast_in_dim3A_265 : vector<16xi1>, vector<16xi32>
        %add3A_267 = arith.addi %add3A_244, %select_n3A_266 : vector<16xi32>
        %sub3A_268 = arith.constant 4 : i32
        %sub3A_269 = vector.broadcast %sub3A_268 : i32 to vector<16xi32>
        %sub3A_270 = arith.subi %iota3A_221, %sub3A_269 : vector<16xi32>
        %max3A_271 = arith.constant 0 : i32
        %max3A_272 = vector.broadcast %max3A_271 : i32 to vector<16xi32>
        %max3A_273 = arith.maxsi %sub3A_270, %max3A_272 : vector<16xi32>
        %lt3A_274 = arith.constant 0 : i32
        %lt3A_275 = vector.broadcast %lt3A_274 : i32 to vector<16xi32>
        %lt3A_276 = arith.cmpi slt, %max3A_273, %lt3A_275 : vector<16xi32>
        %add3A_277 = arith.constant 16 : i32
        %add3A_278 = vector.broadcast %add3A_277 : i32 to vector<16xi32>
        %add3A_279 = arith.addi %max3A_273, %add3A_278 : vector<16xi32>
        %select_n3A_280 = arith.select %lt3A_276, %add3A_279, %max3A_273 : vector<16xi1>, vector<16xi32>
        %broadcast_in_dim3A_281 = vector.shape_cast %select_n3A_280 : vector<16xi32> to vector<16x1xi32>
        %gather3A_282 = vector.shape_cast %broadcast_in_dim3A_281 : vector<16x1xi32> to vector<16xi32>
        %gather3A_283 = tpu.dynamic_gather %add3A_267[%gather3A_282] in [0] : vector<16xi32>, vector<16xi32> -> vector<16xi32>
        %ge3A_284 = arith.constant 4 : i32
        %ge3A_285 = vector.broadcast %ge3A_284 : i32 to vector<16xi32>
        %ge3A_286 = arith.cmpi sge, %iota3A_221, %ge3A_285 : vector<16xi32>
        %jit3A_287 = arith.constant 0 : i32
        %broadcast_in_dim3A_288 = vector.broadcast %jit3A_287 : i32 to vector<16xi32>
        %select_n3A_289 = arith.select %ge3A_286, %gather3A_283, %broadcast_in_dim3A_288 : vector<16xi1>, vector<16xi32>
        %add3A_290 = arith.addi %add3A_267, %select_n3A_289 : vector<16xi32>
        %sub3A_291 = arith.constant 8 : i32
        %sub3A_292 = vector.broadcast %sub3A_291 : i32 to vector<16xi32>
        %sub3A_293 = arith.subi %iota3A_221, %sub3A_292 : vector<16xi32>
        %max3A_294 = arith.constant 0 : i32
        %max3A_295 = vector.broadcast %max3A_294 : i32 to vector<16xi32>
        %max3A_296 = arith.maxsi %sub3A_293, %max3A_295 : vector<16xi32>
        %lt3A_297 = arith.constant 0 : i32
        %lt3A_298 = vector.broadcast %lt3A_297 : i32 to vector<16xi32>
        %lt3A_299 = arith.cmpi slt, %max3A_296, %lt3A_298 : vector<16xi32>
        %add3A_300 = arith.constant 16 : i32
        %add3A_301 = vector.broadcast %add3A_300 : i32 to vector<16xi32>
        %add3A_302 = arith.addi %max3A_296, %add3A_301 : vector<16xi32>
        %select_n3A_303 = arith.select %lt3A_299, %add3A_302, %max3A_296 : vector<16xi1>, vector<16xi32>
        %broadcast_in_dim3A_304 = vector.shape_cast %select_n3A_303 : vector<16xi32> to vector<16x1xi32>
        %gather3A_305 = vector.shape_cast %broadcast_in_dim3A_304 : vector<16x1xi32> to vector<16xi32>
        %gather3A_306 = tpu.dynamic_gather %add3A_290[%gather3A_305] in [0] : vector<16xi32>, vector<16xi32> -> vector<16xi32>
        %ge3A_307 = arith.constant 8 : i32
        %ge3A_308 = vector.broadcast %ge3A_307 : i32 to vector<16xi32>
        %ge3A_309 = arith.cmpi sge, %iota3A_221, %ge3A_308 : vector<16xi32>
        %jit3A_310 = arith.constant 0 : i32
        %broadcast_in_dim3A_311 = vector.broadcast %jit3A_310 : i32 to vector<16xi32>
        %select_n3A_312 = arith.select %ge3A_309, %gather3A_306, %broadcast_in_dim3A_311 : vector<16xi1>, vector<16xi32>
        %add3A_313 = arith.addi %add3A_290, %select_n3A_312 : vector<16xi32>
        %slice3A_314 = vector.extract_strided_slice %add3A_313 {offsets = [15], sizes = [1], strides = [1]} : vector<16xi32> to vector<1xi32>
        %squeeze3A_315 = vector.extract %slice3A_314[0] : i32 from vector<1xi32>
        %add3A_316 = arith.addi %while3A_215, %squeeze3A_315 : i32
        scf.yield %add3A_316 : i32
      }
      %sub3A_178 = arith.subi %mul3A_34, %while3A_177 : i32
      %scan3A = arith.constant 0 : i32
      %scan3A_179 = arith.constant 16 : i32
      %scan3A_180 = arith.addi %scan3A, %scan3A_179 : i32
      %scan3A_181 = arith.constant 1 : i32
      %scan3A_182:2 = scf.for %scan3A_214 = %scan3A to %scan3A_180 step %scan3A_181 iter_args(%scan3A_215 = %while3A_177, %scan3A_216 = %sub3A_178) -> (i32, i32)  : i32 {
        %mul3A_217 = arith.constant 64 : i32
        %mul3A_218 = arith.muli %scan3A_214, %mul3A_217 : i32
        %add3A_219 = arith.addi %mul3A_34, %mul3A_218 : i32
        %add3A_220 = arith.constant 0 : i32
        %add3A_221 = arith.addi %add3A_219, %add3A_220 : i32
        %get3A_222 = arith.index_cast %add3A_221 : i32 to index
        %get3A_223 = tpu.vector_load %arg7[%get3A_222] {strides = array<i32>} : memref<4096xi32, #tpu.memory_space<vmem>>, vector<16xi32>,
        %get3A_224 = vector.shape_cast %get3A_223 : vector<16xi32> to vector<16xi32>
        %iota3A_225 = tpu.iota {dimensions = array<i32: 0>} : vector<16xi32>
        %sub3A_226 = arith.constant 1 : i32
        %sub3A_227 = vector.broadcast %sub3A_226 : i32 to vector<16xi32>
        %sub3A_228 = arith.subi %iota3A_225, %sub3A_227 : vector<16xi32>
        %max3A_229 = arith.constant 0 : i32
        %max3A_230 = vector.broadcast %max3A_229 : i32 to vector<16xi32>
        %max3A_231 = arith.maxsi %sub3A_228, %max3A_230 : vector<16xi32>
        %lt3A_232 = arith.constant 0 : i32
        %lt3A_233 = vector.broadcast %lt3A_232 : i32 to vector<16xi32>
        %lt3A_234 = arith.cmpi slt, %max3A_231, %lt3A_233 : vector<16xi32>
        %add3A_235 = arith.constant 16 : i32
        %add3A_236 = vector.broadcast %add3A_235 : i32 to vector<16xi32>
        %add3A_237 = arith.addi %max3A_231, %add3A_236 : vector<16xi32>
        %select_n3A_238 = arith.select %lt3A_234, %add3A_237, %max3A_231 : vector<16xi1>, vector<16xi32>
        %broadcast_in_dim3A_239 = vector.shape_cast %select_n3A_238 : vector<16xi32> to vector<16x1xi32>
        %gather3A_240 = vector.shape_cast %broadcast_in_dim3A_239 : vector<16x1xi32> to vector<16xi32>
        %gather3A_241 = tpu.dynamic_gather %get3A_224[%gather3A_240] in [0] : vector<16xi32>, vector<16xi32> -> vector<16xi32>
        %ge3A_242 = arith.constant 1 : i32
        %ge3A_243 = vector.broadcast %ge3A_242 : i32 to vector<16xi32>
        %ge3A_244 = arith.cmpi sge, %iota3A_225, %ge3A_243 : vector<16xi32>
        %jit3A_245 = arith.constant 0 : i32
        %broadcast_in_dim3A_246 = vector.broadcast %jit3A_245 : i32 to vector<16xi32>
        %select_n3A_247 = arith.select %ge3A_244, %gather3A_241, %broadcast_in_dim3A_246 : vector<16xi1>, vector<16xi32>
        %add3A_248 = arith.addi %get3A_224, %select_n3A_247 : vector<16xi32>
        %sub3A_249 = arith.constant 2 : i32
        %sub3A_250 = vector.broadcast %sub3A_249 : i32 to vector<16xi32>
        %sub3A_251 = arith.subi %iota3A_225, %sub3A_250 : vector<16xi32>
        %max3A_252 = arith.constant 0 : i32
        %max3A_253 = vector.broadcast %max3A_252 : i32 to vector<16xi32>
        %max3A_254 = arith.maxsi %sub3A_251, %max3A_253 : vector<16xi32>
        %lt3A_255 = arith.constant 0 : i32
        %lt3A_256 = vector.broadcast %lt3A_255 : i32 to vector<16xi32>
        %lt3A_257 = arith.cmpi slt, %max3A_254, %lt3A_256 : vector<16xi32>
        %add3A_258 = arith.constant 16 : i32
        %add3A_259 = vector.broadcast %add3A_258 : i32 to vector<16xi32>
        %add3A_260 = arith.addi %max3A_254, %add3A_259 : vector<16xi32>
        %select_n3A_261 = arith.select %lt3A_257, %add3A_260, %max3A_254 : vector<16xi1>, vector<16xi32>
        %broadcast_in_dim3A_262 = vector.shape_cast %select_n3A_261 : vector<16xi32> to vector<16x1xi32>
        %gather3A_263 = vector.shape_cast %broadcast_in_dim3A_262 : vector<16x1xi32> to vector<16xi32>
        %gather3A_264 = tpu.dynamic_gather %add3A_248[%gather3A_263] in [0] : vector<16xi32>, vector<16xi32> -> vector<16xi32>
        %ge3A_265 = arith.constant 2 : i32
        %ge3A_266 = vector.broadcast %ge3A_265 : i32 to vector<16xi32>
        %ge3A_267 = arith.cmpi sge, %iota3A_225, %ge3A_266 : vector<16xi32>
        %jit3A_268 = arith.constant 0 : i32
        %broadcast_in_dim3A_269 = vector.broadcast %jit3A_268 : i32 to vector<16xi32>
        %select_n3A_270 = arith.select %ge3A_267, %gather3A_264, %broadcast_in_dim3A_269 : vector<16xi1>, vector<16xi32>
        %add3A_271 = arith.addi %add3A_248, %select_n3A_270 : vector<16xi32>
        %sub3A_272 = arith.constant 4 : i32
        %sub3A_273 = vector.broadcast %sub3A_272 : i32 to vector<16xi32>
        %sub3A_274 = arith.subi %iota3A_225, %sub3A_273 : vector<16xi32>
        %max3A_275 = arith.constant 0 : i32
        %max3A_276 = vector.broadcast %max3A_275 : i32 to vector<16xi32>
        %max3A_277 = arith.maxsi %sub3A_274, %max3A_276 : vector<16xi32>
        %lt3A_278 = arith.constant 0 : i32
        %lt3A_279 = vector.broadcast %lt3A_278 : i32 to vector<16xi32>
        %lt3A_280 = arith.cmpi slt, %max3A_277, %lt3A_279 : vector<16xi32>
        %add3A_281 = arith.constant 16 : i32
        %add3A_282 = vector.broadcast %add3A_281 : i32 to vector<16xi32>
        %add3A_283 = arith.addi %max3A_277, %add3A_282 : vector<16xi32>
        %select_n3A_284 = arith.select %lt3A_280, %add3A_283, %max3A_277 : vector<16xi1>, vector<16xi32>
        %broadcast_in_dim3A_285 = vector.shape_cast %select_n3A_284 : vector<16xi32> to vector<16x1xi32>
        %gather3A_286 = vector.shape_cast %broadcast_in_dim3A_285 : vector<16x1xi32> to vector<16xi32>
        %gather3A_287 = tpu.dynamic_gather %add3A_271[%gather3A_286] in [0] : vector<16xi32>, vector<16xi32> -> vector<16xi32>
        %ge3A_288 = arith.constant 4 : i32
        %ge3A_289 = vector.broadcast %ge3A_288 : i32 to vector<16xi32>
        %ge3A_290 = arith.cmpi sge, %iota3A_225, %ge3A_289 : vector<16xi32>
        %jit3A_291 = arith.constant 0 : i32
        %broadcast_in_dim3A_292 = vector.broadcast %jit3A_291 : i32 to vector<16xi32>
        %select_n3A_293 = arith.select %ge3A_290, %gather3A_287, %broadcast_in_dim3A_292 : vector<16xi1>, vector<16xi32>
        %add3A_294 = arith.addi %add3A_271, %select_n3A_293 : vector<16xi32>
        %sub3A_295 = arith.constant 8 : i32
        %sub3A_296 = vector.broadcast %sub3A_295 : i32 to vector<16xi32>
        %sub3A_297 = arith.subi %iota3A_225, %sub3A_296 : vector<16xi32>
        %max3A_298 = arith.constant 0 : i32
        %max3A_299 = vector.broadcast %max3A_298 : i32 to vector<16xi32>
        %max3A_300 = arith.maxsi %sub3A_297, %max3A_299 : vector<16xi32>
        %lt3A_301 = arith.constant 0 : i32
        %lt3A_302 = vector.broadcast %lt3A_301 : i32 to vector<16xi32>
        %lt3A_303 = arith.cmpi slt, %max3A_300, %lt3A_302 : vector<16xi32>
        %add3A_304 = arith.constant 16 : i32
        %add3A_305 = vector.broadcast %add3A_304 : i32 to vector<16xi32>
        %add3A_306 = arith.addi %max3A_300, %add3A_305 : vector<16xi32>
        %select_n3A_307 = arith.select %lt3A_303, %add3A_306, %max3A_300 : vector<16xi1>, vector<16xi32>
        %broadcast_in_dim3A_308 = vector.shape_cast %select_n3A_307 : vector<16xi32> to vector<16x1xi32>
        %gather3A_309 = vector.shape_cast %broadcast_in_dim3A_308 : vector<16x1xi32> to vector<16xi32>
        %gather3A_310 = tpu.dynamic_gather %add3A_294[%gather3A_309] in [0] : vector<16xi32>, vector<16xi32> -> vector<16xi32>
        %ge3A_311 = arith.constant 8 : i32
        %ge3A_312 = vector.broadcast %ge3A_311 : i32 to vector<16xi32>
        %ge3A_313 = arith.cmpi sge, %iota3A_225, %ge3A_312 : vector<16xi32>
        %jit3A_314 = arith.constant 0 : i32
        %broadcast_in_dim3A_315 = vector.broadcast %jit3A_314 : i32 to vector<16xi32>
        %select_n3A_316 = arith.select %ge3A_313, %gather3A_310, %broadcast_in_dim3A_315 : vector<16xi1>, vector<16xi32>
        %add3A_317 = arith.addi %add3A_294, %select_n3A_316 : vector<16xi32>
        %iota3A_318 = tpu.iota {dimensions = array<i32: 0>} : vector<16xi32>
        %add3A_319 = arith.constant 1 : i32
        %add3A_320 = vector.broadcast %add3A_319 : i32 to vector<16xi32>
        %add3A_321 = arith.addi %iota3A_318, %add3A_320 : vector<16xi32>
        %sub3A_322 = arith.subi %add3A_321, %add3A_317 : vector<16xi32>
        %gt3A = arith.constant 0 : i32
        %gt3A_323 = vector.broadcast %gt3A : i32 to vector<16xi32>
        %gt3A_324 = arith.cmpi sgt, %get3A_224, %gt3A_323 : vector<16xi32>
        %add3A_325 = vector.broadcast %scan3A_215 : i32 to vector<16xi32>
        %add3A_326 = arith.addi %add3A_325, %add3A_317 : vector<16xi32>
        %sub3A_327 = arith.constant 1 : i32
        %sub3A_328 = vector.broadcast %sub3A_327 : i32 to vector<16xi32>
        %sub3A_329 = arith.subi %add3A_326, %sub3A_328 : vector<16xi32>
        %add3A_330 = arith.addi %squeeze3A, %scan3A_216 : i32
        %add3A_331 = vector.broadcast %add3A_330 : i32 to vector<16xi32>
        %add3A_332 = arith.addi %add3A_331, %sub3A_322 : vector<16xi32>
        %sub3A_333 = arith.constant 1 : i32
        %sub3A_334 = vector.broadcast %sub3A_333 : i32 to vector<16xi32>
        %sub3A_335 = arith.subi %add3A_332, %sub3A_334 : vector<16xi32>
        %select_n3A_336 = arith.select %gt3A_324, %sub3A_329, %sub3A_335 : vector<16xi1>, vector<16xi32>
        %add3A_337 = vector.broadcast %mul3A_32 : i32 to vector<16xi32>
        %add3A_338 = arith.addi %select_n3A_336, %add3A_337 : vector<16xi32>
        %swap3A = arith.index_cast %scan3A_214 : i32 to index
        %swap3A_339 = arith.constant 0 : index
        %swap3A_340 = tpu.vector_load %arg8[%swap3A, %swap3A_339] {strides = array<i32>} : memref<16x64xi32, #tpu.memory_space<vmem>>, vector<1x16xi32>,
        %swap3A_341 = vector.shape_cast %swap3A_340 : vector<1x16xi32> to vector<16xi32>
        %swap3A_342 = vector.shape_cast %add3A_338 : vector<16xi32> to vector<1x16xi32>
        tpu.vector_store %arg8[%swap3A, %swap3A_339], %swap3A_342 {strides = array<i32>} : memref<16x64xi32, #tpu.memory_space<vmem>>, vector<1x16xi32>,
        %slice3A_343 = vector.extract_strided_slice %add3A_317 {offsets = [15], sizes = [1], strides = [1]} : vector<16xi32> to vector<1xi32>
        %squeeze3A_344 = vector.extract %slice3A_343[0] : i32 from vector<1xi32>
        %add3A_345 = arith.constant 0 : i32
        %add3A_346 = arith.addi %add3A_345, %squeeze3A_344 : i32
        %add3A_347 = arith.addi %scan3A_215, %squeeze3A_344 : i32
        %sub3A_348 = arith.constant 16 : i32
        %sub3A_349 = arith.subi %sub3A_348, %squeeze3A_344 : i32
        %add3A_350 = arith.addi %scan3A_216, %sub3A_349 : i32
        %mul3A_351 = arith.constant 64 : i32
        %mul3A_352 = arith.muli %scan3A_214, %mul3A_351 : i32
        %add3A_353 = arith.addi %mul3A_34, %mul3A_352 : i32
        %add3A_354 = arith.constant 16 : i32
        %add3A_355 = arith.addi %add3A_353, %add3A_354 : i32
        %get3A_356 = arith.index_cast %add3A_355 : i32 to index
        %get3A_357 = tpu.vector_load %arg7[%get3A_356] {strides = array<i32>} : memref<4096xi32, #tpu.memory_space<vmem>>, vector<16xi32>,
        %get3A_358 = vector.shape_cast %get3A_357 : vector<16xi32> to vector<16xi32>
        %iota3A_359 = tpu.iota {dimensions = array<i32: 0>} : vector<16xi32>
        %sub3A_360 = arith.constant 1 : i32
        %sub3A_361 = vector.broadcast %sub3A_360 : i32 to vector<16xi32>
        %sub3A_362 = arith.subi %iota3A_359, %sub3A_361 : vector<16xi32>
        %max3A_363 = arith.constant 0 : i32
        %max3A_364 = vector.broadcast %max3A_363 : i32 to vector<16xi32>
        %max3A_365 = arith.maxsi %sub3A_362, %max3A_364 : vector<16xi32>
        %lt3A_366 = arith.constant 0 : i32
        %lt3A_367 = vector.broadcast %lt3A_366 : i32 to vector<16xi32>
        %lt3A_368 = arith.cmpi slt, %max3A_365, %lt3A_367 : vector<16xi32>
        %add3A_369 = arith.constant 16 : i32
        %add3A_370 = vector.broadcast %add3A_369 : i32 to vector<16xi32>
        %add3A_371 = arith.addi %max3A_365, %add3A_370 : vector<16xi32>
        %select_n3A_372 = arith.select %lt3A_368, %add3A_371, %max3A_365 : vector<16xi1>, vector<16xi32>
        %broadcast_in_dim3A_373 = vector.shape_cast %select_n3A_372 : vector<16xi32> to vector<16x1xi32>
        %gather3A_374 = vector.shape_cast %broadcast_in_dim3A_373 : vector<16x1xi32> to vector<16xi32>
        %gather3A_375 = tpu.dynamic_gather %get3A_358[%gather3A_374] in [0] : vector<16xi32>, vector<16xi32> -> vector<16xi32>
        %ge3A_376 = arith.constant 1 : i32
        %ge3A_377 = vector.broadcast %ge3A_376 : i32 to vector<16xi32>
        %ge3A_378 = arith.cmpi sge, %iota3A_359, %ge3A_377 : vector<16xi32>
        %jit3A_379 = arith.constant 0 : i32
        %broadcast_in_dim3A_380 = vector.broadcast %jit3A_379 : i32 to vector<16xi32>
        %select_n3A_381 = arith.select %ge3A_378, %gather3A_375, %broadcast_in_dim3A_380 : vector<16xi1>, vector<16xi32>
        %add3A_382 = arith.addi %get3A_358, %select_n3A_381 : vector<16xi32>
        %sub3A_383 = arith.constant 2 : i32
        %sub3A_384 = vector.broadcast %sub3A_383 : i32 to vector<16xi32>
        %sub3A_385 = arith.subi %iota3A_359, %sub3A_384 : vector<16xi32>
        %max3A_386 = arith.constant 0 : i32
        %max3A_387 = vector.broadcast %max3A_386 : i32 to vector<16xi32>
        %max3A_388 = arith.maxsi %sub3A_385, %max3A_387 : vector<16xi32>
        %lt3A_389 = arith.constant 0 : i32
        %lt3A_390 = vector.broadcast %lt3A_389 : i32 to vector<16xi32>
        %lt3A_391 = arith.cmpi slt, %max3A_388, %lt3A_390 : vector<16xi32>
        %add3A_392 = arith.constant 16 : i32
        %add3A_393 = vector.broadcast %add3A_392 : i32 to vector<16xi32>
        %add3A_394 = arith.addi %max3A_388, %add3A_393 : vector<16xi32>
        %select_n3A_395 = arith.select %lt3A_391, %add3A_394, %max3A_388 : vector<16xi1>, vector<16xi32>
        %broadcast_in_dim3A_396 = vector.shape_cast %select_n3A_395 : vector<16xi32> to vector<16x1xi32>
        %gather3A_397 = vector.shape_cast %broadcast_in_dim3A_396 : vector<16x1xi32> to vector<16xi32>
        %gather3A_398 = tpu.dynamic_gather %add3A_382[%gather3A_397] in [0] : vector<16xi32>, vector<16xi32> -> vector<16xi32>
        %ge3A_399 = arith.constant 2 : i32
        %ge3A_400 = vector.broadcast %ge3A_399 : i32 to vector<16xi32>
        %ge3A_401 = arith.cmpi sge, %iota3A_359, %ge3A_400 : vector<16xi32>
        %jit3A_402 = arith.constant 0 : i32
        %broadcast_in_dim3A_403 = vector.broadcast %jit3A_402 : i32 to vector<16xi32>
        %select_n3A_404 = arith.select %ge3A_401, %gather3A_398, %broadcast_in_dim3A_403 : vector<16xi1>, vector<16xi32>
        %add3A_405 = arith.addi %add3A_382, %select_n3A_404 : vector<16xi32>
        %sub3A_406 = arith.constant 4 : i32
        %sub3A_407 = vector.broadcast %sub3A_406 : i32 to vector<16xi32>
        %sub3A_408 = arith.subi %iota3A_359, %sub3A_407 : vector<16xi32>
        %max3A_409 = arith.constant 0 : i32
        %max3A_410 = vector.broadcast %max3A_409 : i32 to vector<16xi32>
        %max3A_411 = arith.maxsi %sub3A_408, %max3A_410 : vector<16xi32>
        %lt3A_412 = arith.constant 0 : i32
        %lt3A_413 = vector.broadcast %lt3A_412 : i32 to vector<16xi32>
        %lt3A_414 = arith.cmpi slt, %max3A_411, %lt3A_413 : vector<16xi32>
        %add3A_415 = arith.constant 16 : i32
        %add3A_416 = vector.broadcast %add3A_415 : i32 to vector<16xi32>
        %add3A_417 = arith.addi %max3A_411, %add3A_416 : vector<16xi32>
        %select_n3A_418 = arith.select %lt3A_414, %add3A_417, %max3A_411 : vector<16xi1>, vector<16xi32>
        %broadcast_in_dim3A_419 = vector.shape_cast %select_n3A_418 : vector<16xi32> to vector<16x1xi32>
        %gather3A_420 = vector.shape_cast %broadcast_in_dim3A_419 : vector<16x1xi32> to vector<16xi32>
        %gather3A_421 = tpu.dynamic_gather %add3A_405[%gather3A_420] in [0] : vector<16xi32>, vector<16xi32> -> vector<16xi32>
        %ge3A_422 = arith.constant 4 : i32
        %ge3A_423 = vector.broadcast %ge3A_422 : i32 to vector<16xi32>
        %ge3A_424 = arith.cmpi sge, %iota3A_359, %ge3A_423 : vector<16xi32>
        %jit3A_425 = arith.constant 0 : i32
        %broadcast_in_dim3A_426 = vector.broadcast %jit3A_425 : i32 to vector<16xi32>
        %select_n3A_427 = arith.select %ge3A_424, %gather3A_421, %broadcast_in_dim3A_426 : vector<16xi1>, vector<16xi32>
        %add3A_428 = arith.addi %add3A_405, %select_n3A_427 : vector<16xi32>
        %sub3A_429 = arith.constant 8 : i32
        %sub3A_430 = vector.broadcast %sub3A_429 : i32 to vector<16xi32>
        %sub3A_431 = arith.subi %iota3A_359, %sub3A_430 : vector<16xi32>
        %max3A_432 = arith.constant 0 : i32
        %max3A_433 = vector.broadcast %max3A_432 : i32 to vector<16xi32>
        %max3A_434 = arith.maxsi %sub3A_431, %max3A_433 : vector<16xi32>
        %lt3A_435 = arith.constant 0 : i32
        %lt3A_436 = vector.broadcast %lt3A_435 : i32 to vector<16xi32>
        %lt3A_437 = arith.cmpi slt, %max3A_434, %lt3A_436 : vector<16xi32>
        %add3A_438 = arith.constant 16 : i32
        %add3A_439 = vector.broadcast %add3A_438 : i32 to vector<16xi32>
        %add3A_440 = arith.addi %max3A_434, %add3A_439 : vector<16xi32>
        %select_n3A_441 = arith.select %lt3A_437, %add3A_440, %max3A_434 : vector<16xi1>, vector<16xi32>
        %broadcast_in_dim3A_442 = vector.shape_cast %select_n3A_441 : vector<16xi32> to vector<16x1xi32>
        %gather3A_443 = vector.shape_cast %broadcast_in_dim3A_442 : vector<16x1xi32> to vector<16xi32>
        %gather3A_444 = tpu.dynamic_gather %add3A_428[%gather3A_443] in [0] : vector<16xi32>, vector<16xi32> -> vector<16xi32>
        %ge3A_445 = arith.constant 8 : i32
        %ge3A_446 = vector.broadcast %ge3A_445 : i32 to vector<16xi32>
        %ge3A_447 = arith.cmpi sge, %iota3A_359, %ge3A_446 : vector<16xi32>
        %jit3A_448 = arith.constant 0 : i32
        %broadcast_in_dim3A_449 = vector.broadcast %jit3A_448 : i32 to vector<16xi32>
        %select_n3A_450 = arith.select %ge3A_447, %gather3A_444, %broadcast_in_dim3A_449 : vector<16xi1>, vector<16xi32>
        %add3A_451 = arith.addi %add3A_428, %select_n3A_450 : vector<16xi32>
        %iota3A_452 = tpu.iota {dimensions = array<i32: 0>} : vector<16xi32>
        %add3A_453 = arith.constant 1 : i32
        %add3A_454 = vector.broadcast %add3A_453 : i32 to vector<16xi32>
        %add3A_455 = arith.addi %iota3A_452, %add3A_454 : vector<16xi32>
        %sub3A_456 = arith.subi %add3A_455, %add3A_451 : vector<16xi32>
        %gt3A_457 = arith.constant 0 : i32
        %gt3A_458 = vector.broadcast %gt3A_457 : i32 to vector<16xi32>
        %gt3A_459 = arith.cmpi sgt, %get3A_358, %gt3A_458 : vector<16xi32>
        %add3A_460 = vector.broadcast %add3A_347 : i32 to vector<16xi32>
        %add3A_461 = arith.addi %add3A_460, %add3A_451 : vector<16xi32>
        %sub3A_462 = arith.constant 1 : i32
        %sub3A_463 = vector.broadcast %sub3A_462 : i32 to vector<16xi32>
        %sub3A_464 = arith.subi %add3A_461, %sub3A_463 : vector<16xi32>
        %add3A_465 = arith.addi %squeeze3A, %add3A_350 : i32
        %add3A_466 = vector.broadcast %add3A_465 : i32 to vector<16xi32>
        %add3A_467 = arith.addi %add3A_466, %sub3A_456 : vector<16xi32>
        %sub3A_468 = arith.constant 1 : i32
        %sub3A_469 = vector.broadcast %sub3A_468 : i32 to vector<16xi32>
        %sub3A_470 = arith.subi %add3A_467, %sub3A_469 : vector<16xi32>
        %select_n3A_471 = arith.select %gt3A_459, %sub3A_464, %sub3A_470 : vector<16xi1>, vector<16xi32>
        %add3A_472 = vector.broadcast %mul3A_32 : i32 to vector<16xi32>
        %add3A_473 = arith.addi %select_n3A_471, %add3A_472 : vector<16xi32>
        %swap3A_474 = arith.index_cast %scan3A_214 : i32 to index
        %swap3A_475 = arith.constant 16 : index
        %swap3A_476 = tpu.vector_load %arg8[%swap3A_474, %swap3A_475] {strides = array<i32>} : memref<16x64xi32, #tpu.memory_space<vmem>>, vector<1x16xi32>,
        %swap3A_477 = vector.shape_cast %swap3A_476 : vector<1x16xi32> to vector<16xi32>
        %swap3A_478 = vector.shape_cast %add3A_473 : vector<16xi32> to vector<1x16xi32>
        tpu.vector_store %arg8[%swap3A_474, %swap3A_475], %swap3A_478 {strides = array<i32>} : memref<16x64xi32, #tpu.memory_space<vmem>>, vector<1x16xi32>,
        %slice3A_479 = vector.extract_strided_slice %add3A_451 {offsets = [15], sizes = [1], strides = [1]} : vector<16xi32> to vector<1xi32>
        %squeeze3A_480 = vector.extract %slice3A_479[0] : i32 from vector<1xi32>
        %add3A_481 = arith.addi %add3A_346, %squeeze3A_480 : i32
        %add3A_482 = arith.addi %add3A_347, %squeeze3A_480 : i32
        %sub3A_483 = arith.constant 16 : i32
        %sub3A_484 = arith.subi %sub3A_483, %squeeze3A_480 : i32
        %add3A_485 = arith.addi %add3A_350, %sub3A_484 : i32
        %mul3A_486 = arith.constant 64 : i32
        %mul3A_487 = arith.muli %scan3A_214, %mul3A_486 : i32
        %add3A_488 = arith.addi %mul3A_34, %mul3A_487 : i32
        %add3A_489 = arith.constant 32 : i32
        %add3A_490 = arith.addi %add3A_488, %add3A_489 : i32
        %get3A_491 = arith.index_cast %add3A_490 : i32 to index
        %get3A_492 = tpu.vector_load %arg7[%get3A_491] {strides = array<i32>} : memref<4096xi32, #tpu.memory_space<vmem>>, vector<16xi32>,
        %get3A_493 = vector.shape_cast %get3A_492 : vector<16xi32> to vector<16xi32>
        %iota3A_494 = tpu.iota {dimensions = array<i32: 0>} : vector<16xi32>
        %sub3A_495 = arith.constant 1 : i32
        %sub3A_496 = vector.broadcast %sub3A_495 : i32 to vector<16xi32>
        %sub3A_497 = arith.subi %iota3A_494, %sub3A_496 : vector<16xi32>
        %max3A_498 = arith.constant 0 : i32
        %max3A_499 = vector.broadcast %max3A_498 : i32 to vector<16xi32>
        %max3A_500 = arith.maxsi %sub3A_497, %max3A_499 : vector<16xi32>
        %lt3A_501 = arith.constant 0 : i32
        %lt3A_502 = vector.broadcast %lt3A_501 : i32 to vector<16xi32>
        %lt3A_503 = arith.cmpi slt, %max3A_500, %lt3A_502 : vector<16xi32>
        %add3A_504 = arith.constant 16 : i32
        %add3A_505 = vector.broadcast %add3A_504 : i32 to vector<16xi32>
        %add3A_506 = arith.addi %max3A_500, %add3A_505 : vector<16xi32>
        %select_n3A_507 = arith.select %lt3A_503, %add3A_506, %max3A_500 : vector<16xi1>, vector<16xi32>
        %broadcast_in_dim3A_508 = vector.shape_cast %select_n3A_507 : vector<16xi32> to vector<16x1xi32>
        %gather3A_509 = vector.shape_cast %broadcast_in_dim3A_508 : vector<16x1xi32> to vector<16xi32>
        %gather3A_510 = tpu.dynamic_gather %get3A_493[%gather3A_509] in [0] : vector<16xi32>, vector<16xi32> -> vector<16xi32>
        %ge3A_511 = arith.constant 1 : i32
        %ge3A_512 = vector.broadcast %ge3A_511 : i32 to vector<16xi32>
        %ge3A_513 = arith.cmpi sge, %iota3A_494, %ge3A_512 : vector<16xi32>
        %jit3A_514 = arith.constant 0 : i32
        %broadcast_in_dim3A_515 = vector.broadcast %jit3A_514 : i32 to vector<16xi32>
        %select_n3A_516 = arith.select %ge3A_513, %gather3A_510, %broadcast_in_dim3A_515 : vector<16xi1>, vector<16xi32>
        %add3A_517 = arith.addi %get3A_493, %select_n3A_516 : vector<16xi32>
        %sub3A_518 = arith.constant 2 : i32
        %sub3A_519 = vector.broadcast %sub3A_518 : i32 to vector<16xi32>
        %sub3A_520 = arith.subi %iota3A_494, %sub3A_519 : vector<16xi32>
        %max3A_521 = arith.constant 0 : i32
        %max3A_522 = vector.broadcast %max3A_521 : i32 to vector<16xi32>
        %max3A_523 = arith.maxsi %sub3A_520, %max3A_522 : vector<16xi32>
        %lt3A_524 = arith.constant 0 : i32
        %lt3A_525 = vector.broadcast %lt3A_524 : i32 to vector<16xi32>
        %lt3A_526 = arith.cmpi slt, %max3A_523, %lt3A_525 : vector<16xi32>
        %add3A_527 = arith.constant 16 : i32
        %add3A_528 = vector.broadcast %add3A_527 : i32 to vector<16xi32>
        %add3A_529 = arith.addi %max3A_523, %add3A_528 : vector<16xi32>
        %select_n3A_530 = arith.select %lt3A_526, %add3A_529, %max3A_523 : vector<16xi1>, vector<16xi32>
        %broadcast_in_dim3A_531 = vector.shape_cast %select_n3A_530 : vector<16xi32> to vector<16x1xi32>
        %gather3A_532 = vector.shape_cast %broadcast_in_dim3A_531 : vector<16x1xi32> to vector<16xi32>
        %gather3A_533 = tpu.dynamic_gather %add3A_517[%gather3A_532] in [0] : vector<16xi32>, vector<16xi32> -> vector<16xi32>
        %ge3A_534 = arith.constant 2 : i32
        %ge3A_535 = vector.broadcast %ge3A_534 : i32 to vector<16xi32>
        %ge3A_536 = arith.cmpi sge, %iota3A_494, %ge3A_535 : vector<16xi32>
        %jit3A_537 = arith.constant 0 : i32
        %broadcast_in_dim3A_538 = vector.broadcast %jit3A_537 : i32 to vector<16xi32>
        %select_n3A_539 = arith.select %ge3A_536, %gather3A_533, %broadcast_in_dim3A_538 : vector<16xi1>, vector<16xi32>
        %add3A_540 = arith.addi %add3A_517, %select_n3A_539 : vector<16xi32>
        %sub3A_541 = arith.constant 4 : i32
        %sub3A_542 = vector.broadcast %sub3A_541 : i32 to vector<16xi32>
        %sub3A_543 = arith.subi %iota3A_494, %sub3A_542 : vector<16xi32>
        %max3A_544 = arith.constant 0 : i32
        %max3A_545 = vector.broadcast %max3A_544 : i32 to vector<16xi32>
        %max3A_546 = arith.maxsi %sub3A_543, %max3A_545 : vector<16xi32>
        %lt3A_547 = arith.constant 0 : i32
        %lt3A_548 = vector.broadcast %lt3A_547 : i32 to vector<16xi32>
        %lt3A_549 = arith.cmpi slt, %max3A_546, %lt3A_548 : vector<16xi32>
        %add3A_550 = arith.constant 16 : i32
        %add3A_551 = vector.broadcast %add3A_550 : i32 to vector<16xi32>
        %add3A_552 = arith.addi %max3A_546, %add3A_551 : vector<16xi32>
        %select_n3A_553 = arith.select %lt3A_549, %add3A_552, %max3A_546 : vector<16xi1>, vector<16xi32>
        %broadcast_in_dim3A_554 = vector.shape_cast %select_n3A_553 : vector<16xi32> to vector<16x1xi32>
        %gather3A_555 = vector.shape_cast %broadcast_in_dim3A_554 : vector<16x1xi32> to vector<16xi32>
        %gather3A_556 = tpu.dynamic_gather %add3A_540[%gather3A_555] in [0] : vector<16xi32>, vector<16xi32> -> vector<16xi32>
        %ge3A_557 = arith.constant 4 : i32
        %ge3A_558 = vector.broadcast %ge3A_557 : i32 to vector<16xi32>
        %ge3A_559 = arith.cmpi sge, %iota3A_494, %ge3A_558 : vector<16xi32>
        %jit3A_560 = arith.constant 0 : i32
        %broadcast_in_dim3A_561 = vector.broadcast %jit3A_560 : i32 to vector<16xi32>
        %select_n3A_562 = arith.select %ge3A_559, %gather3A_556, %broadcast_in_dim3A_561 : vector<16xi1>, vector<16xi32>
        %add3A_563 = arith.addi %add3A_540, %select_n3A_562 : vector<16xi32>
        %sub3A_564 = arith.constant 8 : i32
        %sub3A_565 = vector.broadcast %sub3A_564 : i32 to vector<16xi32>
        %sub3A_566 = arith.subi %iota3A_494, %sub3A_565 : vector<16xi32>
        %max3A_567 = arith.constant 0 : i32
        %max3A_568 = vector.broadcast %max3A_567 : i32 to vector<16xi32>
        %max3A_569 = arith.maxsi %sub3A_566, %max3A_568 : vector<16xi32>
        %lt3A_570 = arith.constant 0 : i32
        %lt3A_571 = vector.broadcast %lt3A_570 : i32 to vector<16xi32>
        %lt3A_572 = arith.cmpi slt, %max3A_569, %lt3A_571 : vector<16xi32>
        %add3A_573 = arith.constant 16 : i32
        %add3A_574 = vector.broadcast %add3A_573 : i32 to vector<16xi32>
        %add3A_575 = arith.addi %max3A_569, %add3A_574 : vector<16xi32>
        %select_n3A_576 = arith.select %lt3A_572, %add3A_575, %max3A_569 : vector<16xi1>, vector<16xi32>
        %broadcast_in_dim3A_577 = vector.shape_cast %select_n3A_576 : vector<16xi32> to vector<16x1xi32>
        %gather3A_578 = vector.shape_cast %broadcast_in_dim3A_577 : vector<16x1xi32> to vector<16xi32>
        %gather3A_579 = tpu.dynamic_gather %add3A_563[%gather3A_578] in [0] : vector<16xi32>, vector<16xi32> -> vector<16xi32>
        %ge3A_580 = arith.constant 8 : i32
        %ge3A_581 = vector.broadcast %ge3A_580 : i32 to vector<16xi32>
        %ge3A_582 = arith.cmpi sge, %iota3A_494, %ge3A_581 : vector<16xi32>
        %jit3A_583 = arith.constant 0 : i32
        %broadcast_in_dim3A_584 = vector.broadcast %jit3A_583 : i32 to vector<16xi32>
        %select_n3A_585 = arith.select %ge3A_582, %gather3A_579, %broadcast_in_dim3A_584 : vector<16xi1>, vector<16xi32>
        %add3A_586 = arith.addi %add3A_563, %select_n3A_585 : vector<16xi32>
        %iota3A_587 = tpu.iota {dimensions = array<i32: 0>} : vector<16xi32>
        %add3A_588 = arith.constant 1 : i32
        %add3A_589 = vector.broadcast %add3A_588 : i32 to vector<16xi32>
        %add3A_590 = arith.addi %iota3A_587, %add3A_589 : vector<16xi32>
        %sub3A_591 = arith.subi %add3A_590, %add3A_586 : vector<16xi32>
        %gt3A_592 = arith.constant 0 : i32
        %gt3A_593 = vector.broadcast %gt3A_592 : i32 to vector<16xi32>
        %gt3A_594 = arith.cmpi sgt, %get3A_493, %gt3A_593 : vector<16xi32>
        %add3A_595 = vector.broadcast %add3A_482 : i32 to vector<16xi32>
        %add3A_596 = arith.addi %add3A_595, %add3A_586 : vector<16xi32>
        %sub3A_597 = arith.constant 1 : i32
        %sub3A_598 = vector.broadcast %sub3A_597 : i32 to vector<16xi32>
        %sub3A_599 = arith.subi %add3A_596, %sub3A_598 : vector<16xi32>
        %add3A_600 = arith.addi %squeeze3A, %add3A_485 : i32
        %add3A_601 = vector.broadcast %add3A_600 : i32 to vector<16xi32>
        %add3A_602 = arith.addi %add3A_601, %sub3A_591 : vector<16xi32>
        %sub3A_603 = arith.constant 1 : i32
        %sub3A_604 = vector.broadcast %sub3A_603 : i32 to vector<16xi32>
        %sub3A_605 = arith.subi %add3A_602, %sub3A_604 : vector<16xi32>
        %select_n3A_606 = arith.select %gt3A_594, %sub3A_599, %sub3A_605 : vector<16xi1>, vector<16xi32>
        %add3A_607 = vector.broadcast %mul3A_32 : i32 to vector<16xi32>
        %add3A_608 = arith.addi %select_n3A_606, %add3A_607 : vector<16xi32>
        %swap3A_609 = arith.index_cast %scan3A_214 : i32 to index
        %swap3A_610 = arith.constant 32 : index
        %swap3A_611 = tpu.vector_load %arg8[%swap3A_609, %swap3A_610] {strides = array<i32>} : memref<16x64xi32, #tpu.memory_space<vmem>>, vector<1x16xi32>,
        %swap3A_612 = vector.shape_cast %swap3A_611 : vector<1x16xi32> to vector<16xi32>
        %swap3A_613 = vector.shape_cast %add3A_608 : vector<16xi32> to vector<1x16xi32>
        tpu.vector_store %arg8[%swap3A_609, %swap3A_610], %swap3A_613 {strides = array<i32>} : memref<16x64xi32, #tpu.memory_space<vmem>>, vector<1x16xi32>,
        %slice3A_614 = vector.extract_strided_slice %add3A_586 {offsets = [15], sizes = [1], strides = [1]} : vector<16xi32> to vector<1xi32>
        %squeeze3A_615 = vector.extract %slice3A_614[0] : i32 from vector<1xi32>
        %add3A_616 = arith.addi %add3A_481, %squeeze3A_615 : i32
        %add3A_617 = arith.addi %add3A_482, %squeeze3A_615 : i32
        %sub3A_618 = arith.constant 16 : i32
        %sub3A_619 = arith.subi %sub3A_618, %squeeze3A_615 : i32
        %add3A_620 = arith.addi %add3A_485, %sub3A_619 : i32
        %mul3A_621 = arith.constant 64 : i32
        %mul3A_622 = arith.muli %scan3A_214, %mul3A_621 : i32
        %add3A_623 = arith.addi %mul3A_34, %mul3A_622 : i32
        %add3A_624 = arith.constant 48 : i32
        %add3A_625 = arith.addi %add3A_623, %add3A_624 : i32
        %get3A_626 = arith.index_cast %add3A_625 : i32 to index
        %get3A_627 = tpu.vector_load %arg7[%get3A_626] {strides = array<i32>} : memref<4096xi32, #tpu.memory_space<vmem>>, vector<16xi32>,
        %get3A_628 = vector.shape_cast %get3A_627 : vector<16xi32> to vector<16xi32>
        %iota3A_629 = tpu.iota {dimensions = array<i32: 0>} : vector<16xi32>
        %sub3A_630 = arith.constant 1 : i32
        %sub3A_631 = vector.broadcast %sub3A_630 : i32 to vector<16xi32>
        %sub3A_632 = arith.subi %iota3A_629, %sub3A_631 : vector<16xi32>
        %max3A_633 = arith.constant 0 : i32
        %max3A_634 = vector.broadcast %max3A_633 : i32 to vector<16xi32>
        %max3A_635 = arith.maxsi %sub3A_632, %max3A_634 : vector<16xi32>
        %lt3A_636 = arith.constant 0 : i32
        %lt3A_637 = vector.broadcast %lt3A_636 : i32 to vector<16xi32>
        %lt3A_638 = arith.cmpi slt, %max3A_635, %lt3A_637 : vector<16xi32>
        %add3A_639 = arith.constant 16 : i32
        %add3A_640 = vector.broadcast %add3A_639 : i32 to vector<16xi32>
        %add3A_641 = arith.addi %max3A_635, %add3A_640 : vector<16xi32>
        %select_n3A_642 = arith.select %lt3A_638, %add3A_641, %max3A_635 : vector<16xi1>, vector<16xi32>
        %broadcast_in_dim3A_643 = vector.shape_cast %select_n3A_642 : vector<16xi32> to vector<16x1xi32>
        %gather3A_644 = vector.shape_cast %broadcast_in_dim3A_643 : vector<16x1xi32> to vector<16xi32>
        %gather3A_645 = tpu.dynamic_gather %get3A_628[%gather3A_644] in [0] : vector<16xi32>, vector<16xi32> -> vector<16xi32>
        %ge3A_646 = arith.constant 1 : i32
        %ge3A_647 = vector.broadcast %ge3A_646 : i32 to vector<16xi32>
        %ge3A_648 = arith.cmpi sge, %iota3A_629, %ge3A_647 : vector<16xi32>
        %jit3A_649 = arith.constant 0 : i32
        %broadcast_in_dim3A_650 = vector.broadcast %jit3A_649 : i32 to vector<16xi32>
        %select_n3A_651 = arith.select %ge3A_648, %gather3A_645, %broadcast_in_dim3A_650 : vector<16xi1>, vector<16xi32>
        %add3A_652 = arith.addi %get3A_628, %select_n3A_651 : vector<16xi32>
        %sub3A_653 = arith.constant 2 : i32
        %sub3A_654 = vector.broadcast %sub3A_653 : i32 to vector<16xi32>
        %sub3A_655 = arith.subi %iota3A_629, %sub3A_654 : vector<16xi32>
        %max3A_656 = arith.constant 0 : i32
        %max3A_657 = vector.broadcast %max3A_656 : i32 to vector<16xi32>
        %max3A_658 = arith.maxsi %sub3A_655, %max3A_657 : vector<16xi32>
        %lt3A_659 = arith.constant 0 : i32
        %lt3A_660 = vector.broadcast %lt3A_659 : i32 to vector<16xi32>
        %lt3A_661 = arith.cmpi slt, %max3A_658, %lt3A_660 : vector<16xi32>
        %add3A_662 = arith.constant 16 : i32
        %add3A_663 = vector.broadcast %add3A_662 : i32 to vector<16xi32>
        %add3A_664 = arith.addi %max3A_658, %add3A_663 : vector<16xi32>
        %select_n3A_665 = arith.select %lt3A_661, %add3A_664, %max3A_658 : vector<16xi1>, vector<16xi32>
        %broadcast_in_dim3A_666 = vector.shape_cast %select_n3A_665 : vector<16xi32> to vector<16x1xi32>
        %gather3A_667 = vector.shape_cast %broadcast_in_dim3A_666 : vector<16x1xi32> to vector<16xi32>
        %gather3A_668 = tpu.dynamic_gather %add3A_652[%gather3A_667] in [0] : vector<16xi32>, vector<16xi32> -> vector<16xi32>
        %ge3A_669 = arith.constant 2 : i32
        %ge3A_670 = vector.broadcast %ge3A_669 : i32 to vector<16xi32>
        %ge3A_671 = arith.cmpi sge, %iota3A_629, %ge3A_670 : vector<16xi32>
        %jit3A_672 = arith.constant 0 : i32
        %broadcast_in_dim3A_673 = vector.broadcast %jit3A_672 : i32 to vector<16xi32>
        %select_n3A_674 = arith.select %ge3A_671, %gather3A_668, %broadcast_in_dim3A_673 : vector<16xi1>, vector<16xi32>
        %add3A_675 = arith.addi %add3A_652, %select_n3A_674 : vector<16xi32>
        %sub3A_676 = arith.constant 4 : i32
        %sub3A_677 = vector.broadcast %sub3A_676 : i32 to vector<16xi32>
        %sub3A_678 = arith.subi %iota3A_629, %sub3A_677 : vector<16xi32>
        %max3A_679 = arith.constant 0 : i32
        %max3A_680 = vector.broadcast %max3A_679 : i32 to vector<16xi32>
        %max3A_681 = arith.maxsi %sub3A_678, %max3A_680 : vector<16xi32>
        %lt3A_682 = arith.constant 0 : i32
        %lt3A_683 = vector.broadcast %lt3A_682 : i32 to vector<16xi32>
        %lt3A_684 = arith.cmpi slt, %max3A_681, %lt3A_683 : vector<16xi32>
        %add3A_685 = arith.constant 16 : i32
        %add3A_686 = vector.broadcast %add3A_685 : i32 to vector<16xi32>
        %add3A_687 = arith.addi %max3A_681, %add3A_686 : vector<16xi32>
        %select_n3A_688 = arith.select %lt3A_684, %add3A_687, %max3A_681 : vector<16xi1>, vector<16xi32>
        %broadcast_in_dim3A_689 = vector.shape_cast %select_n3A_688 : vector<16xi32> to vector<16x1xi32>
        %gather3A_690 = vector.shape_cast %broadcast_in_dim3A_689 : vector<16x1xi32> to vector<16xi32>
        %gather3A_691 = tpu.dynamic_gather %add3A_675[%gather3A_690] in [0] : vector<16xi32>, vector<16xi32> -> vector<16xi32>
        %ge3A_692 = arith.constant 4 : i32
        %ge3A_693 = vector.broadcast %ge3A_692 : i32 to vector<16xi32>
        %ge3A_694 = arith.cmpi sge, %iota3A_629, %ge3A_693 : vector<16xi32>
        %jit3A_695 = arith.constant 0 : i32
        %broadcast_in_dim3A_696 = vector.broadcast %jit3A_695 : i32 to vector<16xi32>
        %select_n3A_697 = arith.select %ge3A_694, %gather3A_691, %broadcast_in_dim3A_696 : vector<16xi1>, vector<16xi32>
        %add3A_698 = arith.addi %add3A_675, %select_n3A_697 : vector<16xi32>
        %sub3A_699 = arith.constant 8 : i32
        %sub3A_700 = vector.broadcast %sub3A_699 : i32 to vector<16xi32>
        %sub3A_701 = arith.subi %iota3A_629, %sub3A_700 : vector<16xi32>
        %max3A_702 = arith.constant 0 : i32
        %max3A_703 = vector.broadcast %max3A_702 : i32 to vector<16xi32>
        %max3A_704 = arith.maxsi %sub3A_701, %max3A_703 : vector<16xi32>
        %lt3A_705 = arith.constant 0 : i32
        %lt3A_706 = vector.broadcast %lt3A_705 : i32 to vector<16xi32>
        %lt3A_707 = arith.cmpi slt, %max3A_704, %lt3A_706 : vector<16xi32>
        %add3A_708 = arith.constant 16 : i32
        %add3A_709 = vector.broadcast %add3A_708 : i32 to vector<16xi32>
        %add3A_710 = arith.addi %max3A_704, %add3A_709 : vector<16xi32>
        %select_n3A_711 = arith.select %lt3A_707, %add3A_710, %max3A_704 : vector<16xi1>, vector<16xi32>
        %broadcast_in_dim3A_712 = vector.shape_cast %select_n3A_711 : vector<16xi32> to vector<16x1xi32>
        %gather3A_713 = vector.shape_cast %broadcast_in_dim3A_712 : vector<16x1xi32> to vector<16xi32>
        %gather3A_714 = tpu.dynamic_gather %add3A_698[%gather3A_713] in [0] : vector<16xi32>, vector<16xi32> -> vector<16xi32>
        %ge3A_715 = arith.constant 8 : i32
        %ge3A_716 = vector.broadcast %ge3A_715 : i32 to vector<16xi32>
        %ge3A_717 = arith.cmpi sge, %iota3A_629, %ge3A_716 : vector<16xi32>
        %jit3A_718 = arith.constant 0 : i32
        %broadcast_in_dim3A_719 = vector.broadcast %jit3A_718 : i32 to vector<16xi32>
        %select_n3A_720 = arith.select %ge3A_717, %gather3A_714, %broadcast_in_dim3A_719 : vector<16xi1>, vector<16xi32>
        %add3A_721 = arith.addi %add3A_698, %select_n3A_720 : vector<16xi32>
        %iota3A_722 = tpu.iota {dimensions = array<i32: 0>} : vector<16xi32>
        %add3A_723 = arith.constant 1 : i32
        %add3A_724 = vector.broadcast %add3A_723 : i32 to vector<16xi32>
        %add3A_725 = arith.addi %iota3A_722, %add3A_724 : vector<16xi32>
        %sub3A_726 = arith.subi %add3A_725, %add3A_721 : vector<16xi32>
        %gt3A_727 = arith.constant 0 : i32
        %gt3A_728 = vector.broadcast %gt3A_727 : i32 to vector<16xi32>
        %gt3A_729 = arith.cmpi sgt, %get3A_628, %gt3A_728 : vector<16xi32>
        %add3A_730 = vector.broadcast %add3A_617 : i32 to vector<16xi32>
        %add3A_731 = arith.addi %add3A_730, %add3A_721 : vector<16xi32>
        %sub3A_732 = arith.constant 1 : i32
        %sub3A_733 = vector.broadcast %sub3A_732 : i32 to vector<16xi32>
        %sub3A_734 = arith.subi %add3A_731, %sub3A_733 : vector<16xi32>
        %add3A_735 = arith.addi %squeeze3A, %add3A_620 : i32
        %add3A_736 = vector.broadcast %add3A_735 : i32 to vector<16xi32>
        %add3A_737 = arith.addi %add3A_736, %sub3A_726 : vector<16xi32>
        %sub3A_738 = arith.constant 1 : i32
        %sub3A_739 = vector.broadcast %sub3A_738 : i32 to vector<16xi32>
        %sub3A_740 = arith.subi %add3A_737, %sub3A_739 : vector<16xi32>
        %select_n3A_741 = arith.select %gt3A_729, %sub3A_734, %sub3A_740 : vector<16xi1>, vector<16xi32>
        %add3A_742 = vector.broadcast %mul3A_32 : i32 to vector<16xi32>
        %add3A_743 = arith.addi %select_n3A_741, %add3A_742 : vector<16xi32>
        %swap3A_744 = arith.index_cast %scan3A_214 : i32 to index
        %swap3A_745 = arith.constant 48 : index
        %swap3A_746 = tpu.vector_load %arg8[%swap3A_744, %swap3A_745] {strides = array<i32>} : memref<16x64xi32, #tpu.memory_space<vmem>>, vector<1x16xi32>,
        %swap3A_747 = vector.shape_cast %swap3A_746 : vector<1x16xi32> to vector<16xi32>
        %swap3A_748 = vector.shape_cast %add3A_743 : vector<16xi32> to vector<1x16xi32>
        tpu.vector_store %arg8[%swap3A_744, %swap3A_745], %swap3A_748 {strides = array<i32>} : memref<16x64xi32, #tpu.memory_space<vmem>>, vector<1x16xi32>,
        %slice3A_749 = vector.extract_strided_slice %add3A_721 {offsets = [15], sizes = [1], strides = [1]} : vector<16xi32> to vector<1xi32>
        %squeeze3A_750 = vector.extract %slice3A_749[0] : i32 from vector<1xi32>
        %add3A_751 = arith.addi %add3A_616, %squeeze3A_750 : i32
        %add3A_752 = arith.addi %add3A_617, %squeeze3A_750 : i32
        %sub3A_753 = arith.constant 16 : i32
        %sub3A_754 = arith.subi %sub3A_753, %squeeze3A_750 : i32
        %add3A_755 = arith.addi %add3A_620, %sub3A_754 : i32
        %swap3A_756 = arith.index_cast %scan3A_214 : i32 to index
        %swap3A_757 = memref.load %arg12[%swap3A_756] : memref<16xi32, #tpu.memory_space<smem>>
        memref.store %add3A_751, %arg12[%swap3A_756] : memref<16xi32, #tpu.memory_space<smem>>
        scf.yield %add3A_752, %add3A_755 : i32, i32
      }
      %scan3A_183 = arith.constant 16 : i32
      %dma_start3A = arith.constant 0 : i32
      %dma_start3A_184 = arith.constant 0 : i32
      %dma_start3A_185 = arith.constant 0 : i32
      %dma_start3A_186 = tpu.memref_slice %arg9[%dma_start3A, %dma_start3A_184, %dma_start3A_185] : memref<2x64x512xf32, #tpu.memory_space<vmem>> -> memref<1x64x512xf32, #tpu.memory_space<vmem>>
      %dma_start3A_187 = tpu.memref_squeeze %dma_start3A_186 : memref<1x64x512xf32, #tpu.memory_space<vmem>> -> memref<64x512xf32, #tpu.memory_space<vmem>>
      %dma_start3A_188 = arith.constant 0 : i32
      %dma_start3A_189 = tpu.memref_slice %arg2[%add3A_35, %dma_start3A_188] : memref<32768x512xf32, #tpu.memory_space<hbm>> -> memref<64x512xf32, #tpu.memory_space<hbm>>
      %dma_start3A_190 = arith.constant 0 : i32
      %dma_start3A_191 = arith.constant 0 : i32
      %dma_start3A_192 = tpu.memref_slice %arg9[%dma_start3A, %dma_start3A_190, %dma_start3A_191] : memref<2x64x512xf32, #tpu.memory_space<vmem>> -> memref<1x64x512xf32, #tpu.memory_space<vmem>>
      %dma_start3A_193 = tpu.memref_squeeze %dma_start3A_192 : memref<1x64x512xf32, #tpu.memory_space<vmem>> -> memref<64x512xf32, #tpu.memory_space<vmem>>
      %dma_start3A_194 = arith.constant 0 : i32
      %dma_start3A_195 = tpu.memref_slice %arg2[%add3A_35, %dma_start3A_194] : memref<32768x512xf32, #tpu.memory_space<hbm>> -> memref<64x512xf32, #tpu.memory_space<hbm>>
      tpu.enqueue_dma source(%dma_start3A_195 : memref<64x512xf32, #tpu.memory_space<hbm>>) target(%dma_start3A_193 : memref<64x512xf32, #tpu.memory_space<vmem>>) target_semaphore(%arg13 : memref<!tpu.dma_semaphore, #tpu.memory_space<semaphore_mem>>)
      %scan3A_196 = arith.constant 0 : i32
      %scan3A_197 = arith.constant 0 : i32
      %scan3A_198 = arith.constant 16 : i32
      %scan3A_199 = arith.addi %scan3A_197, %scan3A_198 : i32
      %scan3A_200 = arith.constant 1 : i32
      %scan3A_201 = scf.for %scan3A_214 = %scan3A_197 to %scan3A_199 step %scan3A_200 iter_args(%scan3A_215 = %scan3A_196) -> (i32)  : i32 {
        %jit3A_216 = arith.constant 2 : i32
        %eq3A_217 = arith.constant 0 : i32
        %eq3A_218 = arith.cmpi eq, %jit3A_216, %eq3A_217 : i32
        %jit3A_219 = arith.constant 1 : i32
        %select_n3A_220 = arith.select %eq3A_218, %jit3A_219, %jit3A_216 : i32
        %rem3A_221 = arith.remsi %scan3A_214, %select_n3A_220 : i32
        %ne3A_222 = arith.constant 0 : i32
        %ne3A_223 = arith.cmpi ne, %rem3A_221, %ne3A_222 : i32
        %lt3A_224 = arith.constant 0 : i32
        %lt3A_225 = arith.cmpi slt, %rem3A_221, %lt3A_224 : i32
        %lt3A_226 = arith.constant 0 : i32
        %lt3A_227 = arith.cmpi slt, %select_n3A_220, %lt3A_226 : i32
        %ne3A_228 = arith.xori %lt3A_225, %lt3A_227 : i1
        %and3A_229 = arith.andi %ne3A_228, %ne3A_223 : i1
        %add3A_230 = arith.addi %rem3A_221, %select_n3A_220 : i32
        %select_n3A_231 = arith.select %and3A_229, %add3A_230, %rem3A_221 : i32
        %add3A_232 = arith.constant 1 : i32
        %add3A_233 = arith.addi %scan3A_214, %add3A_232 : i32
        %jit3A_234 = arith.constant 2 : i32
        %eq3A_235 = arith.constant 0 : i32
        %eq3A_236 = arith.cmpi eq, %jit3A_234, %eq3A_235 : i32
        %jit3A_237 = arith.constant 1 : i32
        %select_n3A_238 = arith.select %eq3A_236, %jit3A_237, %jit3A_234 : i32
        %rem3A_239 = arith.remsi %add3A_233, %select_n3A_238 : i32
        %ne3A_240 = arith.constant 0 : i32
        %ne3A_241 = arith.cmpi ne, %rem3A_239, %ne3A_240 : i32
        %lt3A_242 = arith.constant 0 : i32
        %lt3A_243 = arith.cmpi slt, %rem3A_239, %lt3A_242 : i32
        %lt3A_244 = arith.constant 0 : i32
        %lt3A_245 = arith.cmpi slt, %select_n3A_238, %lt3A_244 : i32
        %ne3A_246 = arith.xori %lt3A_243, %lt3A_245 : i1
        %and3A_247 = arith.andi %ne3A_246, %ne3A_241 : i1
        %add3A_248 = arith.addi %rem3A_239, %select_n3A_238 : i32
        %select_n3A_249 = arith.select %and3A_247, %add3A_248, %rem3A_239 : i32
        %mul3A_250 = arith.constant 64 : i32
        %mul3A_251 = arith.muli %scan3A_214, %mul3A_250 : i32
        %add3A_252 = arith.addi %mul3A_34, %mul3A_251 : i32
        %gt3A = arith.constant 0 : i32
        %gt3A_253 = arith.cmpi sgt, %scan3A_214, %gt3A : i32
        %convert_element_type3A_254 = arith.extui %gt3A_253 : i1 to i32
        %cond3A_255 = arith.constant 0 : i32
        %cond3A_256 = arith.cmpi ne, %convert_element_type3A_254, %cond3A_255 : i32
        scf.if %cond3A_256 {
          %sub3A_294 = arith.constant 1 : i32
          %sub3A_295 = arith.subi %scan3A_214, %sub3A_294 : i32
          %dma_wait3A_296 = arith.constant 0 : i32
          %dma_wait3A_297 = arith.constant 0 : i32
          %dma_wait3A_298 = tpu.memref_slice %arg9[%select_n3A_249, %dma_wait3A_296, %dma_wait3A_297] : memref<2x64x512xf32, #tpu.memory_space<vmem>> -> memref<1x64x512xf32, #tpu.memory_space<vmem>>
          %dma_wait3A_299 = tpu.memref_squeeze %dma_wait3A_298 : memref<1x64x512xf32, #tpu.memory_space<vmem>> -> memref<64x512xf32, #tpu.memory_space<vmem>>
          %dma_wait3A_300 = arith.constant 0 : i32
          %dma_wait3A_301 = tpu.memref_slice %arg8[%sub3A_295, %dma_wait3A_300] : memref<16x64xi32, #tpu.memory_space<vmem>> -> memref<1x64xi32, #tpu.memory_space<vmem>>
          %dma_wait3A_302 = tpu.memref_squeeze %dma_wait3A_301 : memref<1x64xi32, #tpu.memory_space<vmem>> -> memref<64xi32, #tpu.memory_space<vmem>>
          %dma_wait3A_303 = arith.constant 0 : i32
          %dma_wait3A_304 = arith.constant 0 : i32
          %dma_wait3A_305 = tpu.memref_slice %arg6[%dma_wait3A_303, %dma_wait3A_304] : memref<32768x512xf32, #tpu.memory_space<hbm>> -> memref<32768x512xf32, #tpu.memory_space<hbm>>
          tpu.wait_indirect_dma semaphore(%arg14 : memref<!tpu.dma_semaphore, #tpu.memory_space<semaphore_mem>>) src(%dma_wait3A_299 : memref<64x512xf32, #tpu.memory_space<vmem>>) dst(%dma_wait3A_305 : memref<32768x512xf32, #tpu.memory_space<hbm>>)
        } else {
        }
        %add3A_257 = arith.constant 1 : i32
        %add3A_258 = arith.addi %scan3A_214, %add3A_257 : i32
        %lt3A_259 = arith.constant 16 : i32
        %lt3A_260 = arith.cmpi slt, %add3A_258, %lt3A_259 : i32
        %convert_element_type3A_261 = arith.extui %lt3A_260 : i1 to i32
        %cond3A_262 = arith.constant 0 : i32
        %cond3A_263 = arith.cmpi ne, %convert_element_type3A_261, %cond3A_262 : i32
        scf.if %cond3A_263 {
          %add3A_294 = arith.constant 1 : i32
          %add3A_295 = arith.addi %scan3A_214, %add3A_294 : i32
          %mul3A_296 = arith.constant 64 : i32
          %mul3A_297 = arith.muli %add3A_295, %mul3A_296 : i32
          %add3A_298 = arith.addi %add3A_35, %mul3A_297 : i32
          %dma_start3A_299 = arith.constant 0 : i32
          %dma_start3A_300 = arith.constant 0 : i32
          %dma_start3A_301 = tpu.memref_slice %arg9[%select_n3A_249, %dma_start3A_299, %dma_start3A_300] : memref<2x64x512xf32, #tpu.memory_space<vmem>> -> memref<1x64x512xf32, #tpu.memory_space<vmem>>
          %dma_start3A_302 = tpu.memref_squeeze %dma_start3A_301 : memref<1x64x512xf32, #tpu.memory_space<vmem>> -> memref<64x512xf32, #tpu.memory_space<vmem>>
          %dma_start3A_303 = arith.constant 0 : i32
          %dma_start3A_304 = tpu.memref_slice %arg2[%add3A_298, %dma_start3A_303] : memref<32768x512xf32, #tpu.memory_space<hbm>> -> memref<64x512xf32, #tpu.memory_space<hbm>>
          %dma_start3A_305 = arith.constant 0 : i32
          %dma_start3A_306 = arith.constant 0 : i32
          %dma_start3A_307 = tpu.memref_slice %arg9[%select_n3A_249, %dma_start3A_305, %dma_start3A_306] : memref<2x64x512xf32, #tpu.memory_space<vmem>> -> memref<1x64x512xf32, #tpu.memory_space<vmem>>
          %dma_start3A_308 = tpu.memref_squeeze %dma_start3A_307 : memref<1x64x512xf32, #tpu.memory_space<vmem>> -> memref<64x512xf32, #tpu.memory_space<vmem>>
          %dma_start3A_309 = arith.constant 0 : i32
          %dma_start3A_310 = tpu.memref_slice %arg2[%add3A_298, %dma_start3A_309] : memref<32768x512xf32, #tpu.memory_space<hbm>> -> memref<64x512xf32, #tpu.memory_space<hbm>>
          tpu.enqueue_dma source(%dma_start3A_310 : memref<64x512xf32, #tpu.memory_space<hbm>>) target(%dma_start3A_308 : memref<64x512xf32, #tpu.memory_space<vmem>>) target_semaphore(%arg13 : memref<!tpu.dma_semaphore, #tpu.memory_space<semaphore_mem>>)
        } else {
        }
        %dma_wait3A_264 = arith.constant 0 : i32
        %dma_wait3A_265 = arith.constant 0 : i32
        %dma_wait3A_266 = tpu.memref_slice %arg9[%select_n3A_231, %dma_wait3A_264, %dma_wait3A_265] : memref<2x64x512xf32, #tpu.memory_space<vmem>> -> memref<1x64x512xf32, #tpu.memory_space<vmem>>
        %dma_wait3A_267 = tpu.memref_squeeze %dma_wait3A_266 : memref<1x64x512xf32, #tpu.memory_space<vmem>> -> memref<64x512xf32, #tpu.memory_space<vmem>>
        %dma_wait3A_268 = arith.constant 0 : i32
        %dma_wait3A_269 = tpu.memref_slice %arg2[%add3A_35, %dma_wait3A_268] : memref<32768x512xf32, #tpu.memory_space<hbm>> -> memref<64x512xf32, #tpu.memory_space<hbm>>
        %dma_wait3A_270 = arith.constant 0 : i32
        %dma_wait3A_271 = arith.constant 0 : i32
        %dma_wait3A_272 = tpu.memref_slice %arg9[%select_n3A_231, %dma_wait3A_270, %dma_wait3A_271] : memref<2x64x512xf32, #tpu.memory_space<vmem>> -> memref<1x64x512xf32, #tpu.memory_space<vmem>>
        %dma_wait3A_273 = tpu.memref_squeeze %dma_wait3A_272 : memref<1x64x512xf32, #tpu.memory_space<vmem>> -> memref<64x512xf32, #tpu.memory_space<vmem>>
        %dma_wait3A_274 = arith.constant 0 : i32
        %dma_wait3A_275 = tpu.memref_slice %arg2[%add3A_35, %dma_wait3A_274] : memref<32768x512xf32, #tpu.memory_space<hbm>> -> memref<64x512xf32, #tpu.memory_space<hbm>>
        tpu.wait_dma2 semaphore(%arg13 : memref<!tpu.dma_semaphore, #tpu.memory_space<semaphore_mem>>) src(%dma_wait3A_275 : memref<64x512xf32, #tpu.memory_space<hbm>>) dst(%dma_wait3A_273 : memref<64x512xf32, #tpu.memory_space<vmem>>)
        %get3A_276 = arith.index_cast %scan3A_214 : i32 to index
        %get3A_277 = memref.load %arg12[%get3A_276] : memref<16xi32, #tpu.memory_space<smem>>
        %lt3A_278 = arith.constant 64 : i32
        %lt3A_279 = arith.cmpi slt, %get3A_277, %lt3A_278 : i32
        %convert_element_type3A_280 = arith.extui %lt3A_279 : i1 to i32
        %cond3A_281 = arith.constant 0 : i32
        %cond3A_282 = arith.cmpi ne, %convert_element_type3A_280, %cond3A_281 : i32
        scf.if %cond3A_282 {
          %scan3A_294 = arith.constant 0 : i32
          %scan3A_295 = arith.constant 0 : i32
          %scan3A_296 = arith.constant 64 : i32
          %scan3A_297 = arith.addi %scan3A_295, %scan3A_296 : i32
          %scan3A_298 = arith.constant 1 : i32
          scf.for %scan3A_300 = %scan3A_295 to %scan3A_297 step %scan3A_298  : i32 {
            %jit3A_301 = arith.constant 16 : i32
            %div3A_302 = arith.divsi %scan3A_300, %jit3A_301 : i32
            %sign3A_303 = arith.constant 0 : i32
            %sign3A_304 = arith.cmpi sgt, %scan3A_300, %sign3A_303 : i32
            %sign3A_305 = arith.extui %sign3A_304 : i1 to i32
            %sign3A_306 = arith.constant 0 : i32
            %sign3A_307 = arith.cmpi slt, %scan3A_300, %sign3A_306 : i32
            %sign3A_308 = arith.extui %sign3A_307 : i1 to i32
            %sign3A_309 = arith.subi %sign3A_305, %sign3A_308 : i32
            %sign3A_310 = arith.constant 0 : i32
            %sign3A_311 = arith.cmpi sgt, %jit3A_301, %sign3A_310 : i32
            %sign3A_312 = arith.extui %sign3A_311 : i1 to i32
            %sign3A_313 = arith.constant 0 : i32
            %sign3A_314 = arith.cmpi slt, %jit3A_301, %sign3A_313 : i32
            %sign3A_315 = arith.extui %sign3A_314 : i1 to i32
            %sign3A_316 = arith.subi %sign3A_312, %sign3A_315 : i32
            %ne3A_317 = arith.cmpi ne, %sign3A_309, %sign3A_316 : i32
            %rem3A_318 = arith.remsi %scan3A_300, %jit3A_301 : i32
            %ne3A_319 = arith.constant 0 : i32
            %ne3A_320 = arith.cmpi ne, %rem3A_318, %ne3A_319 : i32
            %and3A_321 = arith.andi %ne3A_317, %ne3A_320 : i1
            %sub3A_322 = arith.constant 1 : i32
            %sub3A_323 = arith.subi %div3A_302, %sub3A_322 : i32
            %select_n3A_324 = arith.select %and3A_321, %sub3A_323, %div3A_302 : i32
            %mul3A_325 = arith.constant 16 : i32
            %mul3A_326 = arith.muli %select_n3A_324, %mul3A_325 : i32
            %add3A_327 = arith.addi %add3A_252, %mul3A_326 : i32
            %get3A_328 = arith.index_cast %add3A_327 : i32 to index
            %get3A_329 = tpu.vector_load %arg7[%get3A_328] {strides = array<i32>} : memref<4096xi32, #tpu.memory_space<vmem>>, vector<16xi32>,
            %get3A_330 = vector.shape_cast %get3A_329 : vector<16xi32> to vector<16xi32>
            %iota3A_331 = tpu.iota {dimensions = array<i32: 0>} : vector<16xi32>
            %jit3A_332 = arith.constant 16 : i32
            %eq3A_333 = arith.constant 0 : i32
            %eq3A_334 = arith.cmpi eq, %jit3A_332, %eq3A_333 : i32
            %jit3A_335 = arith.constant 1 : i32
            %select_n3A_336 = arith.select %eq3A_334, %jit3A_335, %jit3A_332 : i32
            %rem3A_337 = arith.remsi %scan3A_300, %select_n3A_336 : i32
            %ne3A_338 = arith.constant 0 : i32
            %ne3A_339 = arith.cmpi ne, %rem3A_337, %ne3A_338 : i32
            %lt3A_340 = arith.constant 0 : i32
            %lt3A_341 = arith.cmpi slt, %rem3A_337, %lt3A_340 : i32
            %lt3A_342 = arith.constant 0 : i32
            %lt3A_343 = arith.cmpi slt, %select_n3A_336, %lt3A_342 : i32
            %ne3A_344 = arith.xori %lt3A_341, %lt3A_343 : i1
            %and3A_345 = arith.andi %ne3A_344, %ne3A_339 : i1
            %add3A_346 = arith.addi %rem3A_337, %select_n3A_336 : i32
            %select_n3A_347 = arith.select %and3A_345, %add3A_346, %rem3A_337 : i32
            %eq3A_348 = vector.broadcast %select_n3A_347 : i32 to vector<16xi32>
            %eq3A_349 = arith.cmpi eq, %iota3A_331, %eq3A_348 : vector<16xi32>
            %jit3A_350 = arith.constant 0 : i32
            %broadcast_in_dim3A_351 = vector.broadcast %jit3A_350 : i32 to vector<16xi32>
            %select_n3A_352 = arith.select %eq3A_349, %get3A_330, %broadcast_in_dim3A_351 : vector<16xi1>, vector<16xi32>
            %iota3A_353 = tpu.iota {dimensions = array<i32: 0>} : vector<16xi32>
            %sub3A_354 = arith.constant 1 : i32
            %sub3A_355 = vector.broadcast %sub3A_354 : i32 to vector<16xi32>
            %sub3A_356 = arith.subi %iota3A_353, %sub3A_355 : vector<16xi32>
            %max3A_357 = arith.constant 0 : i32
            %max3A_358 = vector.broadcast %max3A_357 : i32 to vector<16xi32>
            %max3A_359 = arith.maxsi %sub3A_356, %max3A_358 : vector<16xi32>
            %lt3A_360 = arith.constant 0 : i32
            %lt3A_361 = vector.broadcast %lt3A_360 : i32 to vector<16xi32>
            %lt3A_362 = arith.cmpi slt, %max3A_359, %lt3A_361 : vector<16xi32>
            %add3A_363 = arith.constant 16 : i32
            %add3A_364 = vector.broadcast %add3A_363 : i32 to vector<16xi32>
            %add3A_365 = arith.addi %max3A_359, %add3A_364 : vector<16xi32>
            %select_n3A_366 = arith.select %lt3A_362, %add3A_365, %max3A_359 : vector<16xi1>, vector<16xi32>
            %broadcast_in_dim3A_367 = vector.shape_cast %select_n3A_366 : vector<16xi32> to vector<16x1xi32>
            %gather3A_368 = vector.shape_cast %broadcast_in_dim3A_367 : vector<16x1xi32> to vector<16xi32>
            %gather3A_369 = tpu.dynamic_gather %select_n3A_352[%gather3A_368] in [0] : vector<16xi32>, vector<16xi32> -> vector<16xi32>
            %ge3A_370 = arith.constant 1 : i32
            %ge3A_371 = vector.broadcast %ge3A_370 : i32 to vector<16xi32>
            %ge3A_372 = arith.cmpi sge, %iota3A_353, %ge3A_371 : vector<16xi32>
            %jit3A_373 = arith.constant 0 : i32
            %broadcast_in_dim3A_374 = vector.broadcast %jit3A_373 : i32 to vector<16xi32>
            %select_n3A_375 = arith.select %ge3A_372, %gather3A_369, %broadcast_in_dim3A_374 : vector<16xi1>, vector<16xi32>
            %add3A_376 = arith.addi %select_n3A_352, %select_n3A_375 : vector<16xi32>
            %sub3A_377 = arith.constant 2 : i32
            %sub3A_378 = vector.broadcast %sub3A_377 : i32 to vector<16xi32>
            %sub3A_379 = arith.subi %iota3A_353, %sub3A_378 : vector<16xi32>
            %max3A_380 = arith.constant 0 : i32
            %max3A_381 = vector.broadcast %max3A_380 : i32 to vector<16xi32>
            %max3A_382 = arith.maxsi %sub3A_379, %max3A_381 : vector<16xi32>
            %lt3A_383 = arith.constant 0 : i32
            %lt3A_384 = vector.broadcast %lt3A_383 : i32 to vector<16xi32>
            %lt3A_385 = arith.cmpi slt, %max3A_382, %lt3A_384 : vector<16xi32>
            %add3A_386 = arith.constant 16 : i32
            %add3A_387 = vector.broadcast %add3A_386 : i32 to vector<16xi32>
            %add3A_388 = arith.addi %max3A_382, %add3A_387 : vector<16xi32>
            %select_n3A_389 = arith.select %lt3A_385, %add3A_388, %max3A_382 : vector<16xi1>, vector<16xi32>
            %broadcast_in_dim3A_390 = vector.shape_cast %select_n3A_389 : vector<16xi32> to vector<16x1xi32>
            %gather3A_391 = vector.shape_cast %broadcast_in_dim3A_390 : vector<16x1xi32> to vector<16xi32>
            %gather3A_392 = tpu.dynamic_gather %add3A_376[%gather3A_391] in [0] : vector<16xi32>, vector<16xi32> -> vector<16xi32>
            %ge3A_393 = arith.constant 2 : i32
            %ge3A_394 = vector.broadcast %ge3A_393 : i32 to vector<16xi32>
            %ge3A_395 = arith.cmpi sge, %iota3A_353, %ge3A_394 : vector<16xi32>
            %jit3A_396 = arith.constant 0 : i32
            %broadcast_in_dim3A_397 = vector.broadcast %jit3A_396 : i32 to vector<16xi32>
            %select_n3A_398 = arith.select %ge3A_395, %gather3A_392, %broadcast_in_dim3A_397 : vector<16xi1>, vector<16xi32>
            %add3A_399 = arith.addi %add3A_376, %select_n3A_398 : vector<16xi32>
            %sub3A_400 = arith.constant 4 : i32
            %sub3A_401 = vector.broadcast %sub3A_400 : i32 to vector<16xi32>
            %sub3A_402 = arith.subi %iota3A_353, %sub3A_401 : vector<16xi32>
            %max3A_403 = arith.constant 0 : i32
            %max3A_404 = vector.broadcast %max3A_403 : i32 to vector<16xi32>
            %max3A_405 = arith.maxsi %sub3A_402, %max3A_404 : vector<16xi32>
            %lt3A_406 = arith.constant 0 : i32
            %lt3A_407 = vector.broadcast %lt3A_406 : i32 to vector<16xi32>
            %lt3A_408 = arith.cmpi slt, %max3A_405, %lt3A_407 : vector<16xi32>
            %add3A_409 = arith.constant 16 : i32
            %add3A_410 = vector.broadcast %add3A_409 : i32 to vector<16xi32>
            %add3A_411 = arith.addi %max3A_405, %add3A_410 : vector<16xi32>
            %select_n3A_412 = arith.select %lt3A_408, %add3A_411, %max3A_405 : vector<16xi1>, vector<16xi32>
            %broadcast_in_dim3A_413 = vector.shape_cast %select_n3A_412 : vector<16xi32> to vector<16x1xi32>
            %gather3A_414 = vector.shape_cast %broadcast_in_dim3A_413 : vector<16x1xi32> to vector<16xi32>
            %gather3A_415 = tpu.dynamic_gather %add3A_399[%gather3A_414] in [0] : vector<16xi32>, vector<16xi32> -> vector<16xi32>
            %ge3A_416 = arith.constant 4 : i32
            %ge3A_417 = vector.broadcast %ge3A_416 : i32 to vector<16xi32>
            %ge3A_418 = arith.cmpi sge, %iota3A_353, %ge3A_417 : vector<16xi32>
            %jit3A_419 = arith.constant 0 : i32
            %broadcast_in_dim3A_420 = vector.broadcast %jit3A_419 : i32 to vector<16xi32>
            %select_n3A_421 = arith.select %ge3A_418, %gather3A_415, %broadcast_in_dim3A_420 : vector<16xi1>, vector<16xi32>
            %add3A_422 = arith.addi %add3A_399, %select_n3A_421 : vector<16xi32>
            %sub3A_423 = arith.constant 8 : i32
            %sub3A_424 = vector.broadcast %sub3A_423 : i32 to vector<16xi32>
            %sub3A_425 = arith.subi %iota3A_353, %sub3A_424 : vector<16xi32>
            %max3A_426 = arith.constant 0 : i32
            %max3A_427 = vector.broadcast %max3A_426 : i32 to vector<16xi32>
            %max3A_428 = arith.maxsi %sub3A_425, %max3A_427 : vector<16xi32>
            %lt3A_429 = arith.constant 0 : i32
            %lt3A_430 = vector.broadcast %lt3A_429 : i32 to vector<16xi32>
            %lt3A_431 = arith.cmpi slt, %max3A_428, %lt3A_430 : vector<16xi32>
            %add3A_432 = arith.constant 16 : i32
            %add3A_433 = vector.broadcast %add3A_432 : i32 to vector<16xi32>
            %add3A_434 = arith.addi %max3A_428, %add3A_433 : vector<16xi32>
            %select_n3A_435 = arith.select %lt3A_431, %add3A_434, %max3A_428 : vector<16xi1>, vector<16xi32>
            %broadcast_in_dim3A_436 = vector.shape_cast %select_n3A_435 : vector<16xi32> to vector<16x1xi32>
            %gather3A_437 = vector.shape_cast %broadcast_in_dim3A_436 : vector<16x1xi32> to vector<16xi32>
            %gather3A_438 = tpu.dynamic_gather %add3A_422[%gather3A_437] in [0] : vector<16xi32>, vector<16xi32> -> vector<16xi32>
            %ge3A_439 = arith.constant 8 : i32
            %ge3A_440 = vector.broadcast %ge3A_439 : i32 to vector<16xi32>
            %ge3A_441 = arith.cmpi sge, %iota3A_353, %ge3A_440 : vector<16xi32>
            %jit3A_442 = arith.constant 0 : i32
            %broadcast_in_dim3A_443 = vector.broadcast %jit3A_442 : i32 to vector<16xi32>
            %select_n3A_444 = arith.select %ge3A_441, %gather3A_438, %broadcast_in_dim3A_443 : vector<16xi1>, vector<16xi32>
            %add3A_445 = arith.addi %add3A_422, %select_n3A_444 : vector<16xi32>
            %slice3A_446 = vector.extract_strided_slice %add3A_445 {offsets = [15], sizes = [1], strides = [1]} : vector<16xi32> to vector<1xi32>
            %squeeze3A_447 = vector.extract %slice3A_446[0] : i32 from vector<1xi32>
            %eq3A_448 = arith.constant 0 : i32
            %eq3A_449 = arith.cmpi eq, %squeeze3A_447, %eq3A_448 : i32
            %convert_element_type3A_450 = arith.extui %eq3A_449 : i1 to i32
            %cond3A_451 = arith.constant 0 : i32
            %cond3A_452 = arith.cmpi ne, %convert_element_type3A_450, %cond3A_451 : i32
            scf.if %cond3A_452 {
              %scan3A_453 = arith.constant 0 : i32
              %scan3A_454 = arith.constant 0 : i32
              %scan3A_455 = arith.constant 32 : i32
              %scan3A_456 = arith.addi %scan3A_454, %scan3A_455 : i32
              %scan3A_457 = arith.constant 1 : i32
              scf.for %scan3A_459 = %scan3A_454 to %scan3A_456 step %scan3A_457  : i32 {
                %mul3A_460 = arith.constant 16 : i32
                %mul3A_461 = arith.muli %scan3A_459, %mul3A_460 : i32
                %get3A_462 = arith.index_cast %mul3A_461 : i32 to index
                %get3A_463 = tpu.vector_load %arg10[%get3A_462] {strides = array<i32>} : memref<512xf32, #tpu.memory_space<vmem>>, vector<16xf32>,
                %get3A_464 = vector.shape_cast %get3A_463 : vector<16xf32> to vector<16xf32>
                %mul3A_465 = arith.constant 16 : i32
                %mul3A_466 = arith.muli %scan3A_459, %mul3A_465 : i32
                %swap3A = arith.index_cast %select_n3A_231 : i32 to index
                %swap3A_467 = arith.index_cast %scan3A_300 : i32 to index
                %swap3A_468 = arith.index_cast %mul3A_466 : i32 to index
                %swap3A_469 = tpu.vector_load %arg9[%swap3A, %swap3A_467, %swap3A_468] {strides = array<i32>} : memref<2x64x512xf32, #tpu.memory_space<vmem>>, vector<1x1x16xf32>,
                %swap3A_470 = vector.shape_cast %swap3A_469 : vector<1x1x16xf32> to vector<16xf32>
                %swap3A_471 = vector.shape_cast %get3A_464 : vector<16xf32> to vector<1x1x16xf32>
                tpu.vector_store %arg9[%swap3A, %swap3A_467, %swap3A_468], %swap3A_471 {strides = array<i32>} : memref<2x64x512xf32, #tpu.memory_space<vmem>>, vector<1x1x16xf32>,
              }
              %scan3A_458 = arith.constant 32 : i32
            } else {
            }
          }
          %scan3A_299 = arith.constant 64 : i32
        } else {
        }
        %dma_start3A_283 = arith.constant 0 : i32
        %dma_start3A_284 = arith.constant 0 : i32
        %dma_start3A_285 = tpu.memref_slice %arg9[%select_n3A_231, %dma_start3A_283, %dma_start3A_284] : memref<2x64x512xf32, #tpu.memory_space<vmem>> -> memref<1x64x512xf32, #tpu.memory_space<vmem>>
        %dma_start3A_286 = tpu.memref_squeeze %dma_start3A_285 : memref<1x64x512xf32, #tpu.memory_space<vmem>> -> memref<64x512xf32, #tpu.memory_space<vmem>>
        %dma_start3A_287 = arith.constant 0 : i32
        %dma_start3A_288 = tpu.memref_slice %arg8[%scan3A_214, %dma_start3A_287] : memref<16x64xi32, #tpu.memory_space<vmem>> -> memref<1x64xi32, #tpu.memory_space<vmem>>
        %dma_start3A_289 = tpu.memref_squeeze %dma_start3A_288 : memref<1x64xi32, #tpu.memory_space<vmem>> -> memref<64xi32, #tpu.memory_space<vmem>>
        %dma_start3A_290 = arith.constant 0 : i32
        %dma_start3A_291 = arith.constant 0 : i32
        %dma_start3A_292 = tpu.memref_slice %arg6[%dma_start3A_290, %dma_start3A_291] : memref<32768x512xf32, #tpu.memory_space<hbm>> -> memref<32768x512xf32, #tpu.memory_space<hbm>>
        tpu.enqueue_indirect_dma source(%dma_start3A_286 : memref<64x512xf32, #tpu.memory_space<vmem>>) target(%dma_start3A_292 : memref<32768x512xf32, #tpu.memory_space<hbm>>) offsets(%dma_start3A_289 : memref<64xi32, #tpu.memory_space<vmem>>) semaphore(%arg14 : memref<!tpu.dma_semaphore, #tpu.memory_space<semaphore_mem>>)
        %scan3A_293 = arith.constant 0 : i32
        scf.yield %scan3A_293 : i32
      }
      %scan3A_202 = arith.constant 16 : i32
      %dma_wait3A = arith.constant 1 : i32
      %dma_wait3A_203 = arith.constant 15 : i32
      %dma_wait3A_204 = arith.constant 0 : i32
      %dma_wait3A_205 = arith.constant 0 : i32
      %dma_wait3A_206 = tpu.memref_slice %arg9[%dma_wait3A, %dma_wait3A_204, %dma_wait3A_205] : memref<2x64x512xf32, #tpu.memory_space<vmem>> -> memref<1x64x512xf32, #tpu.memory_space<vmem>>
      %dma_wait3A_207 = tpu.memref_squeeze %dma_wait3A_206 : memref<1x64x512xf32, #tpu.memory_space<vmem>> -> memref<64x512xf32, #tpu.memory_space<vmem>>
      %dma_wait3A_208 = arith.constant 0 : i32
      %dma_wait3A_209 = tpu.memref_slice %arg8[%dma_wait3A_203, %dma_wait3A_208] : memref<16x64xi32, #tpu.memory_space<vmem>> -> memref<1x64xi32, #tpu.memory_space<vmem>>
      %dma_wait3A_210 = tpu.memref_squeeze %dma_wait3A_209 : memref<1x64xi32, #tpu.memory_space<vmem>> -> memref<64xi32, #tpu.memory_space<vmem>>
      %dma_wait3A_211 = arith.constant 0 : i32
      %dma_wait3A_212 = arith.constant 0 : i32
      %dma_wait3A_213 = tpu.memref_slice %arg6[%dma_wait3A_211, %dma_wait3A_212] : memref<32768x512xf32, #tpu.memory_space<hbm>> -> memref<32768x512xf32, #tpu.memory_space<hbm>>
      tpu.wait_indirect_dma semaphore(%arg14 : memref<!tpu.dma_semaphore, #tpu.memory_space<semaphore_mem>>) src(%dma_wait3A_207 : memref<64x512xf32, #tpu.memory_space<vmem>>) dst(%dma_wait3A_213 : memref<32768x512xf32, #tpu.memory_space<hbm>>)
    } else {
    }
    return
  }
}

module attributes {stable_mosaic.version = 14 : i64} {
  func.func @_mask_body(%arg0: i32, %arg1: memref<1x4096x512xf32, #tpu.memory_space<vmem>>, %arg2: memref<1x512xf32, #tpu.memory_space<vmem>>, %arg3: memref<1xf32, #tpu.memory_space<smem>>, %arg4: memref<1x1x4096xi32, #tpu.memory_space<vmem>>, %arg5: memref<1x1x128xi32, #tpu.memory_space<vmem>>) attributes {dimension_semantics = [#tpu.dimension_semantics<arbitrary>], iteration_bounds = array<i64: 8>, scalar_prefetch = 0 : i64, scratch_operands = 0 : i64, tpu.core_type = #tpu.core_type<tc>, window_params = [{transform_indices = @transform_0, window_bounds = array<i64: 1, 4096, 512>}, {pipeline_mode = #tpu.pipeline_mode<synchronous>, transform_indices = @transform_1, window_bounds = array<i64: 1, 512>}, {transform_indices = @transform_2, window_bounds = array<i64: 1>}, {transform_indices = @transform_3, window_bounds = array<i64: 1, 1, 4096>}, {transform_indices = @transform_4, window_bounds = array<i64: 1, 1, 128>}]} {
    %get3A = arith.constant 0 : index
    %get3A_0 = arith.constant 0 : index
    %get3A_1 = arith.constant 0 : index
    %get3A_2 = vector.load %arg1[%get3A, %get3A_0, %get3A_1] : memref<1x4096x512xf32, #tpu.memory_space<vmem>>, vector<1x4096x512xf32>
    %get3A_3 = vector.shape_cast %get3A_2 : vector<1x4096x512xf32> to vector<4096x512xf32>
    %get3A_4 = arith.constant 0 : index
    %get3A_5 = arith.constant 0 : index
    %get3A_6 = vector.load %arg2[%get3A_4, %get3A_5] : memref<1x512xf32, #tpu.memory_space<vmem>>, vector<1x512xf32>
    %get3A_7 = vector.shape_cast %get3A_6 : vector<1x512xf32> to vector<512xf32>
    %broadcast_in_dim3A = vector.shape_cast %get3A_7 : vector<512xf32> to vector<512x1xf32>
    %broadcast_in_dim3A_8 = vector.shape_cast %broadcast_in_dim3A : vector<512x1xf32> to vector<512x1xf32>
    %broadcast_in_dim3A_9 = vector.broadcast %broadcast_in_dim3A_8 : vector<512x1xf32> to vector<512x128xf32>
    %dot_general3A = arith.constant dense<0.000000e+00> : vector<4096x128xf32>
    %dot_general3A_10 = tpu.matmul %get3A_3, %broadcast_in_dim3A_9, %dot_general3A {dimension_numbers = #tpu.dot_dimension_numbers<[1], [0], [0], [1], [0, 0, 1, 1], [], []>, transpose_lhs_hint = false} : vector<4096x512xf32>, vector<512x128xf32>, vector<4096x128xf32> -> vector<4096x128xf32>
    %slice3A = vector.extract_strided_slice %dot_general3A_10 {offsets = [0, 0], sizes = [4096, 1], strides = [1, 1]} : vector<4096x128xf32> to vector<4096x1xf32>
    %squeeze3A = vector.shape_cast %slice3A : vector<4096x1xf32> to vector<4096xf32>
    %get3A_11 = arith.constant 0 : index
    %get3A_12 = memref.load %arg3[%get3A_11] : memref<1xf32, #tpu.memory_space<smem>>
    %add3A = vector.broadcast %get3A_12 : f32 to vector<4096xf32>
    %add3A_13 = arith.addf %squeeze3A, %add3A : vector<4096xf32>
    %logistic3A = arith.negf %add3A_13 : vector<4096xf32>
    %logistic3A_14 = math.exp %logistic3A : vector<4096xf32>
    %logistic3A_15 = arith.constant 1.000000e+00 : f32
    %logistic3A_16 = vector.broadcast %logistic3A_15 : f32 to vector<4096xf32>
    %logistic3A_17 = arith.addf %logistic3A_16, %logistic3A_14 : vector<4096xf32>
    %logistic3A_18 = arith.divf %logistic3A_16, %logistic3A_17 : vector<4096xf32>
    %lt3A = arith.constant 9.900000e-01 : f32
    %lt3A_19 = vector.broadcast %lt3A : f32 to vector<4096xf32>
    %lt3A_20 = arith.cmpf olt, %logistic3A_18, %lt3A_19 : vector<4096xf32>
    %convert_element_type3A = arith.extui %lt3A_20 : vector<4096xi1> to vector<4096xi32>
    %swap3A = arith.constant 0 : index
    %swap3A_21 = arith.constant 0 : index
    %swap3A_22 = arith.constant 0 : index
    %swap3A_23 = vector.load %arg4[%swap3A, %swap3A_21, %swap3A_22] : memref<1x1x4096xi32, #tpu.memory_space<vmem>>, vector<1x1x4096xi32>
    %swap3A_24 = vector.shape_cast %swap3A_23 : vector<1x1x4096xi32> to vector<4096xi32>
    %swap3A_25 = vector.shape_cast %convert_element_type3A : vector<4096xi32> to vector<1x1x4096xi32>
    tpu.vector_store %arg4[%swap3A, %swap3A_21, %swap3A_22], %swap3A_25 {strides = array<i32>} : memref<1x1x4096xi32, #tpu.memory_space<vmem>>, vector<1x1x4096xi32>,
    %reduce_sum3A = vector.shape_cast %convert_element_type3A : vector<4096xi32> to vector<1x4096xi32>
    %reduce_sum3A_26 = arith.constant dense<0> : vector<1xi32>
    %reduce_sum3A_27 = vector.multi_reduction <add>, %reduce_sum3A, %reduce_sum3A_26 [1] : vector<1x4096xi32> to vector<1xi32>
    %reduce_sum3A_28 = vector.shape_cast %reduce_sum3A_27 : vector<1xi32> to vector<1x1xi32>
    %reduce_sum3A_29 = vector.extract %reduce_sum3A_28[0, 0] : i32 from vector<1x1xi32>
    %broadcast_in_dim3A_30 = vector.broadcast %reduce_sum3A_29 : i32 to vector<128xi32>
    %swap3A_31 = arith.constant 0 : index
    %swap3A_32 = arith.constant 0 : index
    %swap3A_33 = arith.constant 0 : index
    %swap3A_34 = vector.load %arg5[%swap3A_31, %swap3A_32, %swap3A_33] : memref<1x1x128xi32, #tpu.memory_space<vmem>>, vector<1x1x128xi32>
    %swap3A_35 = vector.shape_cast %swap3A_34 : vector<1x1x128xi32> to vector<128xi32>
    %swap3A_36 = vector.shape_cast %broadcast_in_dim3A_30 : vector<128xi32> to vector<1x1x128xi32>
    tpu.vector_store %arg5[%swap3A_31, %swap3A_32, %swap3A_33], %swap3A_36 {strides = array<i32>} : memref<1x1x128xi32, #tpu.memory_space<vmem>>, vector<1x1x128xi32>,
    return
  }
  func.func @transform_0(%arg0: i32) -> (i32, i32, i32) {
    %c0_i32 = arith.constant 0 : i32
    %c0_i32_0 = arith.constant 0 : i32
    %c0_i32_1 = arith.constant 0 : i32
    return %arg0, %c0_i32, %c0_i32_0 : i32, i32, i32
  }
  func.func @transform_1(%arg0: i32) -> (i32, i32) {
    %c0_i32 = arith.constant 0 : i32
    %c0_i32_0 = arith.constant 0 : i32
    %c0_i32_1 = arith.constant 0 : i32
    return %c0_i32, %c0_i32_0 : i32, i32
  }
  func.func @transform_2(%arg0: i32) -> i32 {
    %c0_i32 = arith.constant 0 : i32
    %c0_i32_0 = arith.constant 0 : i32
    return %c0_i32 : i32
  }
  func.func @transform_3(%arg0: i32) -> (i32, i32, i32) {
    %c0_i32 = arith.constant 0 : i32
    %c0_i32_0 = arith.constant 0 : i32
    %c0_i32_1 = arith.constant 0 : i32
    return %arg0, %c0_i32, %c0_i32_0 : i32, i32, i32
  }
  func.func @transform_4(%arg0: i32) -> (i32, i32, i32) {
    %c0_i32 = arith.constant 0 : i32
    %c0_i32_0 = arith.constant 0 : i32
    %c0_i32_1 = arith.constant 0 : i32
    return %arg0, %c0_i32, %c0_i32_0 : i32, i32, i32
  }
}

</mosaic_0001>

<sc_bundles>
// kernel: kernel.4.cloned.1.call-start
scs
__scs_entry_jumppad:
0x0: {  	(pc) =	sbr.rel $0x88, $3  }
0x1: {  	(tag) =	ssettag $0x0;
	lr =	simm.s32 $0x1  }
0x2: {  	[smem:$0x3F9D] =	sst lr;
	_ =	strace $0xD0000000  }
0x3: {  	_ = 	snop  }
0x4: {  	_ = 	snop  }
0x5: {  	_ = 	snop  }
0x6: {  	_ = 	snop  }
0x7: {  	_ = 	snop  }
__scs_overlays_trampoline_lowered:
0x8: {  	[smem:$0x3FAC] =	sst s0  }
0x9: {  	[smem:$0x3FAD] =	sst s1  }
0xa: {  	[smem:$0x3FAE] =	sst s2  }
0xb: {  	[smem:$0x3FAF] =	sst s3  }
0xc: {  	[smem:$0x3FB0] =	sst s4  }
0xd: {  	[smem:$0x3FB1] =	sst s5  }
0xe: {  	[smem:$0x3FB2] =	sst s6  }
0xf: {  	[smem:$0x3FB3] =	sst s7  }
0x10: {  	[smem:$0x3FB4] =	sst s8  }
0x11: {  	[smem:$0x3FB5] =	sst s9;
	s0 =	simm.s32 @!p0 $0x0  }
0x12: {  	s1 =	sld [smem:$0x3F9B];
	s0 =	simm.s32 @p0 $0x1  }
0x13: {  	[smem:$0x3FB6] =	sst s0;
	s0 =	simm.s32 @!p1 $0x0  }
0x14: {  	s2 =	sld [smem:$0x3F9A];
	s0 =	simm.s32 @p1 $0x1  }
0x15: {  	[smem:$0x3FB7] =	sst s0;
	s0 =	simm.s32 @!p2 $0x0  }
0x16: {  	s3 =	sld [smem:$0x3FDB];
	s0 =	simm.s32 @p2 $0x1  }
0x17: {  	s4 =	simm.s32 $0x1BF5;
	[smem:$0x3FB9] =	sst s0  }
0x18: {  	s0 =	sld [smem:$0x3F9C];
	_ =	swait.ge [sflag:s4], $0x0  }
0x19: {  	s7 =	sld [smem:$0x3F9D]  }
0x1a: {  	s8 =	sadd.s32 $0xFFFFE003, lr  }
0x1b: {  	s9 =	sadd.s32 $0xFFFFFEF7, lr;
	s5 =	simm.s32 $0xFFFFFFFF;
	p2 =	slt.u32 s8, $0xFFFFF086  }
0x1c: {  	p1 =	slt.u32 s9, $0xF7A;
	s5 =	simm.s32 @!p2 $0x0  }
0x1d: {  	s5 =	simm.s32 @p1 $0x1;
	p0 =	seq.s32 s7, s2  }
0x1e: {  	s7 =	smul.u32 @!p0 $0xF7A, s2;
	p2 =	seq.s32 @!p0 s5, $0x0  }
0x1f: {  	s9 =	smul.u32 $0xF7A, s1;
	s8 =	simm.s32 @!p0 $0x1BF5;
	p2 =	por !p2, p0  }
0x20: {  	[sflag:s8] =	ssyncset.s32 @!p0 $0xFFFFF086;
	s6 =	sadd.s32 @!p0 s3, s7;
	s7 =	simm.s32 @!p0 $0x108  }
0x21: {  	s3 =	sadd.s32 s3, s9;
	s6 =	sadd.s32 @!p0 $0x88, s6;
	s7 =	simm.s32 @p2 $0x1082  }
0x22: {  	[simem:s7], [sflag:s8] =	dma.local @!p0 [hbm:s6], $0xF7A  }
0x23: {  	s9 =	sor.u32 $0xD0000000, s2;
	s6 =	simm.s32 $0x108;
	_ =	swait.ge @!p0 [sflag:s8], $0x0  }
0x24: {  	s3 =	sadd.s32 $0x88, s3;
	s6 =	simm.s32 @!p1 $0x1082;
	[sflag:s4] =	ssyncset.s32 $0xFFFFF086  }
0x25: {  	[simem:s6], [sflag:s4] =	dma.local [hbm:s3], $0xF7A  }
0x26: {  	[smem:$0x3F9D] =	sst s1;
	(tag) =	ssettag s2;
	_ =	strace s9  }
0x27: {  	s1 =	sld [smem:$0x3FAD]  }
0x28: {  	s2 =	sld [smem:$0x3FAE]  }
0x29: {  	s4 =	sld [smem:$0x3FB0]  }
0x2a: {  	p0 =	seq.s32 s5, $0x0;
	s5 =	sld [smem:$0x3FB1]  }
0x2b: {  	s6 =	sld [smem:$0x3FB2]  }
0x2c: {  	s7 =	sld [smem:$0x3FB3]  }
0x2d: {  	s3 =	simm.s32 $0x108;
	s8 =	sld [smem:$0x3FB4]  }
0x2e: {  	s3 =	simm.s32 @!p0 $0x1082;
	s9 =	sld [smem:$0x3FB5]  }
0x2f: {  	lr =	sadd.s32 s0, s3;
	s0 =	sld [smem:$0x3FAC]  }
0x30: {  	s3 =	sld [smem:$0x3FAF]  }
0x31: {  	[smem:$0x3FB8] =	sst s10  }
0x32: {  	s10 =	sld [smem:$0x3FB6];
	_ =	sdelay $0x3  }
0x33: {  	p0 =	seq.s32 s10, $0x1;
	s10 =	sld [smem:$0x3FB8];
	_ =	sdelay $0x3  }
0x34: {  	[smem:$0x3FB8] =	sst s10  }
0x35: {  	s10 =	sld [smem:$0x3FB7];
	_ =	sdelay $0x3  }
0x36: {  	p1 =	seq.s32 s10, $0x1;
	s10 =	sld [smem:$0x3FB8];
	_ =	sdelay $0x3  }
0x37: {  	[smem:$0x3FB8] =	sst s10  }
0x38: {  	s10 =	sld [smem:$0x3FB9]  }
0x39: {  	_ = 	snop;
	(pc) =	sbr.ind lr, $3  }
0x3a: {  	_ = 	snop  }
0x3b: {  	_ = 	snop  }
0x3c: {  	p2 =	seq.s32 s10, $0x1;
	s10 =	sld [smem:$0x3FB8]  }
0x3d: {  	_ =	shalt  }
0x3e: {  	_ =	shalt  }
0x3f: {  	_ =	shalt  }
0x40: {  	_ =	shalt  }
0x41: {  	_ =	shalt  }
0x42: {  	_ =	shalt  }
0x43: {  	_ =	shalt  }
0x44: {  	_ =	shalt  }
0x45: {  	_ =	shalt  }
0x46: {  	_ =	shalt  }
0x47: {  	_ =	shalt  }
0x48: {  	_ =	shalt  }
0x49: {  	_ =	shalt  }
0x4a: {  	_ =	shalt  }
0x4b: {  	_ =	shalt  }
0x4c: {  	_ =	shalt  }
0x4d: {  	_ =	shalt  }
0x4e: {  	_ =	shalt  }
0x4f: {  	_ =	shalt  }
0x50: {  	_ =	shalt  }
0x51: {  	_ =	shalt  }
0x52: {  	_ =	shalt  }
0x53: {  	_ =	shalt  }
0x54: {  	_ =	shalt  }
0x55: {  	_ =	shalt  }
0x56: {  	_ =	shalt  }
0x57: {  	_ =	shalt  }
0x58: {  	_ =	shalt  }
0x59: {  	_ =	shalt  }
0x5a: {  	_ =	shalt  }
0x5b: {  	_ =	shalt  }
0x5c: {  	_ =	shalt  }
0x5d: {  	_ =	shalt  }
0x5e: {  	_ =	shalt  }
0x5f: {  	_ =	shalt  }
0x60: {  	_ =	shalt  }
0x61: {  	_ =	shalt  }
0x62: {  	_ =	shalt  }
0x63: {  	_ =	shalt  }
0x64: {  	_ =	shalt  }
0x65: {  	_ =	shalt  }
0x66: {  	_ =	shalt  }
0x67: {  	_ =	shalt  }
0x68: {  	_ =	shalt  }
0x69: {  	_ =	shalt  }
0x6a: {  	_ =	shalt  }
0x6b: {  	_ =	shalt  }
0x6c: {  	_ =	shalt  }
0x6d: {  	_ =	shalt  }
0x6e: {  	_ =	shalt  }
0x6f: {  	_ =	shalt  }
0x70: {  	_ =	shalt  }
0x71: {  	_ =	shalt  }
0x72: {  	_ =	shalt  }
0x73: {  	_ =	shalt  }
0x74: {  	_ =	shalt  }
0x75: {  	_ =	shalt  }
0x76: {  	_ =	shalt  }
0x77: {  	_ =	shalt  }
0x78: {  	_ =	shalt  }
0x79: {  	_ =	shalt  }
0x7a: {  	_ =	shalt  }
0x7b: {  	_ =	shalt  }
0x7c: {  	_ =	shalt  }
0x7d: {  	_ =	shalt  }
0x7e: {  	_ =	shalt  }
0x7f: {  	_ =	shalt  }
0x80: {  	_ =	shalt  }
0x81: {  	_ =	shalt  }
0x82: {  	_ =	shalt  }
0x83: {  	_ =	shalt  }
0x84: {  	_ =	shalt  }
0x85: {  	_ =	shalt  }
0x86: {  	_ =	shalt  }
0x87: {  	_ =	shalt  }
.Lfunc_end0:
.L_simem_size_0:
called_computation_lowered:
.L_overlay_start_0:
0x88: {  	s2 =	sld [smem:$0x3FD9]  }
0x89: {  	s3 =	sld [smem:$0x3FFE];
	_ =	sdelay $0x1  }
0x8a: {  	s1 =	srdreg.scid  }
0x8b: {  	s0 =	sand.u32 $0x1, s1  }
0x8c: {  	s17 =	sshll.u32 s0, $0xA;
	s2 =	sadd.s32 s3, s2  }
0x8d: {  	s2 =	sadd.s32 s2, s17  }
0x8e: {  	[smem:$0x3FC4] =	sst s2  }
0x8f: {  	_ = 	snop  }
0x90: {  	s2 =	sld [smem:$0x3FC9]  }
0x91: {  	s18 =	sld [smem:$0x3FC6]  }
0x92: {  	s4 =	sld [smem:$0x3FD0];
	(tm) =	ssettm $0x1  }
0x93: {  	s5 =	sld [smem:$0x3FFB];
	_ =	sdelay $0x3  }
0x94: {  	_ =	strace s5  }
0x95: {  	s5 =	sld [smem:$0x3FFC];
	_ =	sdelay $0x3  }
0x96: {  	_ =	strace s5  }
0x97: {  	s5 =	sld [smem:$0x3FFD];
	_ =	sdelay $0x3  }
0x98: {  	_ =	strace s5  }
0x99: {  	_ =	strace $0x8FFFFFFF  }
0x9a: {  	s19 =	sld [smem:$0x3FDB];
	_ =	sdelay $0x1  }
0x9b: {  	s6 =	simm.s32 $_scs_section_size  }
0x9c: {  	s7 =	simm.s32 $_size__tile_overlayer_lowered;
	s8 =	simm.s32 $_tile_overlayer_lowered  }
0x9d: {  	s22 =	simm.s32 $0x1BFF;
	s21 =	sshll.u32 s8, $0x1;
	s5 =	sadd.s32 s6, s19  }
0x9e: {  	s9 =	simm.s32 $0x0;
	s20 =	sshll.u32 s7, $0x1;
	s7 =	sadd.s32 s21, s5  }
0x9f: {  	[timem:s9], [sflag:s22] =	dma.local [hbm:s7], s20  }
0xa0: {  	_ =	swait.ge [sflag:s22], s20  }
0xa1: {  	s6 =	ssub.s32 $0x0, s20;
	[sflag:s22] =	ssyncset.done $0x0  }
0xa2: {  	[sflag:s22] =	ssyncadd.s32 s6;
	_ =	sdelay $0x1  }
0xa3: {  	s23 =	simm.s32 $0x1B8B  }
0xa4: {  	_ =	swait.ge [sflag:s23], $0x1  }
0xa5: {  	[sflag:s23] =	ssyncset.done $0x0  }
0xa6: {  	s25 =	simm.s32 $0x1B8E;
	s24 =	sld [smem:$0x3FFE];
	[sflag:s23] =	ssyncadd.s32 $0xFFFFFFFF  }
0xa7: {  	s26 =	simm.s32 $execute0_lowered;
	[smem:$0x3FD2] =	sst s25  }
0xa8: {  	s7 =	sshll.u32 s26, $0x1;
	_ =	strace $0x80000046;
	[dreg:$0x1] =	wrdreg $0xFFFFFFFF  }
0xa9: {  	s28 =	simm.s32 $_size_execute0_lowered;
	s5 =	sadd.s32 s5, s7;
	[dreg:$0x0] =	wrdreg $0x0  }
0xaa: {  	s7 =	sshll.u32 s28, $0x1;
	[dreg:$0x2] =	wrdreg s5  }
0xab: {  	[dreg:$0x3] =	wrdreg s7  }
0xac: {  	[dreg:$0x4] =	wrdreg $0xC0  }
0xad: {  	_ =	task [dreg:s9], $0x5FFFF  }
0xae: {  	[dreg:$0x1] =	wrdreg $0xFFFFFFFF  }
0xaf: {  	[dreg:$0x0] =	wrdreg $0x60  }
0xb0: {  	[dreg:$0x2] =	wrdreg s2  }
0xb1: {  	[dreg:$0x3] =	wrdreg s24  }
0xb2: {  	[dreg:$0x4] =	wrdreg s18  }
0xb3: {  	[dreg:$0x5] =	wrdreg s4  }
0xb4: {  	[dreg:$0x6] =	wrdreg $0x9  }
0xb5: {  	_ =	task.clear_ibuf [dreg:s9], $0x7FFFF;
	_ =	strace $0x90000046  }
0xb6: {  	s29 =	simm.s32 $0x9;
	_ =	strace $0x80000048  }
0xb7: {  	_ =	swait.ge [sflag:s29], $0x1  }
0xb8: {  	[sflag:s29] =	ssyncadd.s32 $0xFFFFFFFF  }
0xb9: {  	_ =	strace $0x90000048  }
0xba: {  	_ =	sfence  }
0xbb: {  	s30 =	sld [smem:$0x0];
	_ =	sdelay $0x2  }
0xbc: {  	s31 =	sshll.u32 s1, $0xD;
	s1 =	sshrl.u32 s1, $0x2  }
0xbd: {  	s3 =	sand.u32 $0x4000, s31;
	s1 =	sadd.s32 s1, s30  }
0xbe: {  	s0 =	sor.u32 s3, s0;
	s1 =	sshll.u32 s1, $0x11  }
0xbf: {  	s0 =	sor.u32 s1, s0  }
0xc0: {  	s0 =	sadd.s32 $0x8F2B, s0  }
0xc1: {  	[sflag:s0] =	ssyncadd.remote.s32 $0x1  }
0xc2: {  	_ =	sfence.sel $0xFFFF  }
0xc3: {  	[dreg:$0x0] =	wrdreg $0xFFFFFFFF;
	(pc) =	sbr.abs _section_cstart, $3  }
0xc4: {  	[dreg:$0x1] =	wrdreg $0xFFFFFFFF  }
0xc5: {  	_ =	task.clear_ibuf [dreg:s9], $0x2FFFF;
	_ =	strace $0x9FFFFFFF  }
0xc6: {  	(tm) =	ssettm $0x7FFFFFFF  }
0xc7: {  	_ =	shalt  }
tec
execute0_lowered:
.L_overlay_start_1:
0x0: {  	(tag) =	ssettag $0x1  }
0x1: {  	s1 =	rddreg [dreg:$0x0]  }
0x2: {  	s2 =	rddreg [dreg:$0x1]  }
0x3: {  	s3 =	rddreg [dreg:$0x3];
	s4 =	simm.s32 $0x0  }
0x4: {  	s14 =	stileid.u32;
	s0 =	srdreg.scid;
	s18 =	simm.s32 $0x3  }
0x5: {  	s19 =	simm.s32 $0x1800;
	s20 =	simm.s32 $0x9800;
	s21 =	simm.s32 $0x1  }
0x6: {  	[smem:$0x7FF] =	sst s4;
	s5 =	sshll.u32 s14, $0x1;
	s9 =	sshrl.u32 s14, $0x1  }
0x7: {  	v0 =	vimm.s32 $0xEDCBA987;
	v1 =	vimm.s32 $0x65432100;
	v3 =	vimm.s32 $0xDCBA9876;
	s12 =	sand.u32 $0x1, s0;
	s26 =	sshll.u32 s14, $0x7;
	s28 =	sand.u32 $0x1, s14  }
0x8: {  	v4 =	vimm.s32 $0x54321000;
	v0 =	vunpack.c.l.s4.s8 v0;
	s22 =	sand.u32 $0x2, s5;
	_ =	strace $0x80000047;
	s23 =	sshll.u32 s9, $0x9  }
0x9: {  	v5 =	vimm.s32 $0xE40000;
	vm0 =	vmmov $0x1;
	v1 =	vunpack.c.l.s4.s8 v1;
	s6 =	sshll.u32 s9, $0xC;
	s7 =	sshll.u32 s9, $0x4;
	s8 =	ssub.s32 $0x2, s12  }
0xa: {  	v6 =	vimm.s32 $0x32100000;
	vm1 =	vmmov $0x3;
	s29 =	sshll.u32 s12, $0x6;
	s9 =	sshll.u32 s9, $0x12;
	s15 =	sshll.u32 s28, $0x11;
	v2 =	vunpack.c.0.s8.s32 v0  }
0xb: {  	vm3 =	vcmask $0x3F30;
	v3 =	vunpack.c.l.s4.s8 v3;
	s30 =	sshll.u32 s12, $0x10;
	s0 =	sor.u32 s12, s22;
	s10 =	sadd.s32 s23, s2;
	v1 =	vunpack.c.0.s8.s32 v1  }
0xc: {  	vm2 =	vmmov $0xf;
	v4 =	vunpack.c.l.s4.s8 v4;
	s2 =	sadd.s32 s7, s2;
	s24 =	sshrl.u32 s8, $0x1;
	s9 =	sor.u32 s9, s15;
	v2 =	vand.u32 $0xF, v2  }
0xd: {  	v3 =	vunpack.c.0.s8.s32 v3;
	s12 =	simm.s32 $0x11A00;
	s22 =	simm.s32 $0x2;
	s5 =	sshll.u32 s0, $0xA;
	v1 =	vcombine.low v1, v2;
	v2 =	vunpack.c.l.s2.s4 v5  }
0xe: {  	vm4 =	vmmov $0xffff;
	v4 =	vunpack.c.0.s8.s32 v4;
	s13 =	ssub.s32 s8, s24;
	s25 =	sadd.s32 $0xC00, s10;
	s10 =	sadd.s32 $0x100, s3;
	v5 =	vimm.s32 $0xBA987654  }
0xf: {  	s9 =	sor.u32 s9, s30;
	p0 =	seq.s32 s0, $0x0;
	s24 =	simm.s32 $0x0;
	v3 =	vand.u32 $0xF, v3;
	v5 =	vunpack.c.l.s4.s8 v5;
	v7 =	vunpack.c.l.s4.s8 v2  }
0x10: {  	v0 =	vmov s6;
	s11 =	sor.u32 s6, s5;
	s6 =	sadd.s32 $0x1C00, s2;
	[dreg:$0x6] =	wrdreg s25;
	v3 =	vcombine.low v4, v3;
	v4 =	vunpack.c.l.s4.s8 v6  }
.Ltmp0:
0x11: {  	s2 =	sand.u32 $0x80, s26;
	s15 =	sadd.s32 s9, s3;
	v6 =	vimm.s32 $0x7060504;
	v5 =	vunpack.c.0.s8.s32 v5;
	v7 =	vunpack.c.0.s8.s32 v7;
	(pc) =	sbr.rel .LBB2_1-.Ltmp0, $4  }
0x12: {  	s11 =	sshll.u32 s11, $0x6;
	s2 =	sor.u32 s29, s2;
	s14 =	sadd.s32 $0x1000, s15;
	v6 =	vunpack.c.0.s8.s32 v6;
	v2 =	vlaneseq.u32;
	v4 =	vunpack.c.0.s8.s32 v4  }
0x13: {  	s7 =	sadd.s32 s1, s11;
	s8 =	sadd.s32 s3, s11;
	s11 =	smax.u32 s13, $0x1;
	v8 =	vor.u32 $0x8, v2;
	v5 =	vand.u32 $0xF, v5;
	v7 =	vand.u32 $0x3, v7  }
0x14: {  	s1 =	sadd.s32 s9, s1;
	s16 =	smax.u32 s2, $0x1;
	s31 =	sadd.s32 $0x1000, s7;
	v4 =	vcombine.low v4, v5;
	v5 =	vsel vm3, v6, v7;
	v7 =	vshrl.u32 v2, $0x3  }
0x15: {  	s13 =	sadd.s32 $0xF000, s8;
	s15 =	sadd.s32 $0x2000, s1;
	[dreg:$0x7] =	wrdreg s31;
	vm3 =	vmmov $0xff;
	v6 =	vand.u32 $0x7, v2;
	v7 =	vmul.u32 $0x8, v7  }
.LBB2_32:
0x16: {  	_ =	swait.ge [sflag:s22], $0x8000  }
0x17: {  	[sflag:s22] =	ssyncset.done $0x0  }
0x18: {  	s12 =	simm.s32 $0x11A00;
	s20 =	simm.s32 $0x9800;
	[sflag:s22] =	ssyncadd.s32 $0xFFFF8000  }
.LBB2_33:
0x19: {  	s24 =	sadd.s32 $0x1, s24  }
0x1a: {  	p1 =	sne.s32 s24, s11  }
.Ltmp1:
0x1b: {  	_ = 	snop;
	(pc) =	sbr.rel @!p1 .LBB2_34-.Ltmp1, $1  }
0x1c: {  	_ =	sdelay $0x3  }
.LBB2_1:
0x1d: {  	[tilespmem:s12], [sflag:$0x3] =	stream.linear.gather [hbm4b:s6+s4], $0x10, $0x38;
	[tilespmem:$0x11A80] =	vst v63  }
0x1e: {  	_ =	swait.ge [sflag:s18], $0x10  }
0x1f: {  	[sflag:s18] =	ssyncset.done $0x0  }
0x20: {  	[sflag:s18] =	ssyncadd.s32 $0xFFFFFFF0  }
0x21: {  	v9 =	vld [tilespmem:$0x11A00];
	_ =	sdelay $0x4  }
0x22: {  	v9 =	vnsel vm0, $0x0, v9  }
0x23: {  	v10 =	vperm.xlane v9, v1  }
0x24: {  	vm5 =	veq.s32 v2, $0x0  }
0x25: {  	v10 =	vsel vm5, $0x0, v10  }
0x26: {  	v9 =	vadd.s32 v9, v10  }
0x27: {  	v10 =	vperm.xlane v9, v3;
	_ =	sdelay $0x1  }
0x28: {  	v10 =	vsel vm1, $0x0, v10  }
0x29: {  	v9 =	vadd.s32 v10, v9  }
0x2a: {  	v10 =	vperm.xlane v9, v4;
	_ =	sdelay $0x1  }
0x2b: {  	v10 =	vsel vm2, $0x0, v10  }
0x2c: {  	v9 =	vadd.s32 v10, v9  }
0x2d: {  	v10 =	vperm.xlane v9, v5;
	_ =	sdelay $0x1  }
0x2e: {  	v9 =	vadd.s32 v10, v9  }
0x2f: {  	(v2sf) =	vpush v9, $0xF;
	_ =	sdelay $0xe  }
0x30: {  	s26 =	spop (v2sf)  }
0x31: {  	p1 =	sne.s32 s26, $0x1000  }
.Ltmp2:
0x32: {  	_ = 	snop;
	(pc) =	sbr.rel @p1 .LBB2_5-.Ltmp2, $1  }
0x33: {  	_ =	sdelay $0x3  }
0x34: {  	[tilespmem:s19], [sflag:$0x1] =	stream.linear.gather [hbm4b:s7+s4], $0x8000, $0x38;
	[tilespmem:$0x11A80] =	vst v63  }
0x35: {  	s0 =	rddreg [dreg:$0x7]  }
0x36: {  	[tilespmem:s20], [sflag:$0x1] =	stream.linear.gather [hbm4b:s0+s4], $0x8000, $0x38;
	[tilespmem:$0x11A80] =	vst v63  }
0x37: {  	_ =	swait.ge [sflag:s21], $0x8000  }
0x38: {  	[sflag:s21] =	ssyncset.done $0x0  }
0x39: {  	[sflag:s21] =	ssyncadd.s32 $0xFFFF8000  }
0x3a: {  	[hbm4b:s8+s4] =	stream.linear.scatter [tilespmem:s19], [sflag:$0x2], $0x8000, $0x38;
	[tilespmem:$0x11A80] =	vst v63  }
0x3b: {  	s31 =	simm.s32 $0x10000;
	_ =	swait.ge [sflag:s22], $0x8000  }
0x3c: {  	s0 =	sand.u32 $0x8000, s31;
	[sflag:s22] =	ssyncset.done $0x0  }
0x3d: {  	s1 =	simm.s32 $0x8000;
	s0 =	sor.u32 $0x1800, s0;
	[sflag:s22] =	ssyncadd.s32 $0xFFFF8000  }
0x3e: {  	[tilespmem:s0], [sflag:$0x1] =	stream.linear.gather [hbm4b:s15+s4], $0x8000, $0x38;
	[tilespmem:$0x11A80] =	vst v63  }
0x3f: {  	s9 =	smov.u32 s14;
	s2 =	sand.u32 $0x8000, s1;
	_ =	swait.ge [sflag:s21], $0x8000  }
0x40: {  	s1 =	sadd.s32 $0x1000, s15;
	s17 =	sor.u32 $0x1800, s2;
	[sflag:s21] =	ssyncset.done $0x0  }
0x41: {  	s2 =	sadd.s32 $0x1000, s14;
	s0 =	simm.s32 $0x18000;
	[sflag:s21] =	ssyncadd.s32 $0xFFFF8000  }
.LBB2_3:
0x42: {  	[hbm4b:s9+s4] =	stream.linear.scatter [tilespmem:s17], [sflag:$0x2], $0x8000, $0x38;
	[tilespmem:$0x11A80] =	vst v63  }
0x43: {  	s17 =	smov.u32 s0;
	s9 =	smov.u32 s2  }
0x44: {  	p1 =	sne.s32 s0, $0x78000;
	s0 =	sadd.s32 $0x8000, s0;
	_ =	swait.ge [sflag:s22], $0x8000  }
0x45: {  	s23 =	sand.u32 $0x8000, s17;
	[sflag:s22] =	ssyncset.done $0x0  }
.Ltmp3:
0x46: {  	s23 =	sor.u32 $0x1800, s23;
	[sflag:s22] =	ssyncadd.s32 $0xFFFF8000;
	(pc) =	sbr.rel @p1 .LBB2_3-.Ltmp3, $4  }
0x47: {  	[tilespmem:s23], [sflag:$0x1] =	stream.linear.gather [hbm4b:s1+s4], $0x8000, $0x38;
	[tilespmem:$0x11A80] =	vst v63  }
0x48: {  	s17 =	sadd.s32 $0xFFFF8000, s17;
	_ =	swait.ge [sflag:s21], $0x8000  }
0x49: {  	s17 =	sand.u32 $0x8000, s17;
	s1 =	sadd.s32 $0x1000, s1;
	[sflag:s21] =	ssyncset.done $0x0  }
0x4a: {  	s2 =	sadd.s32 $0x1000, s2;
	s17 =	sor.u32 $0x1800, s17;
	[sflag:s21] =	ssyncadd.s32 $0xFFFF8000  }
0x4b: {  	[hbm4b:s9+s4] =	stream.linear.scatter [tilespmem:s17], [sflag:$0x2], $0x8000, $0x38;
	[tilespmem:$0x11A80] =	vst v63  }
0x4c: {  	_ =	swait.ge [sflag:s22], $0x8000  }
0x4d: {  	[sflag:s22] =	ssyncset.done $0x0  }
0x4e: {  	[sflag:s22] =	ssyncadd.s32 $0xFFFF8000  }
0x4f: {  	_ =	swait.ge [sflag:s21], $0x8000  }
0x50: {  	[sflag:s21] =	ssyncset.done $0x0  }
0x51: {  	[sflag:s21] =	ssyncadd.s32 $0xFFFF8000  }
0x52: {  	[hbm4b:s13+s4] =	stream.linear.scatter [tilespmem:s20], [sflag:$0x2], $0x8000, $0x38;
	[tilespmem:$0x11A80] =	vst v63  }
0x53: {  	_ =	swait.ge [sflag:s22], $0x8000  }
0x54: {  	[sflag:s22] =	ssyncset.done $0x0  }
0x55: {  	[sflag:s22] =	ssyncadd.s32 $0xFFFF8000  }
.LBB2_5:
0x56: {  	p1 =	sgt.s32 s26, $0xFFF  }
.Ltmp4:
0x57: {  	_ = 	snop;
	(pc) =	sbr.rel @p1 .LBB2_33-.Ltmp4, $1  }
0x58: {  	_ =	sdelay $0x3  }
0x59: {  	s25 =	simm.s32 $0x0;
	s0 =	rddreg [dreg:$0x6]  }
0x5a: {  	[tilespmem:s25], [sflag:$0x3] =	stream.linear.gather [hbm4b:s0+s25], $0x1000, $0x38;
	[tilespmem:$0x11A80] =	vst v63  }
0x5b: {  	_ =	swait.ge [sflag:s18], $0x1000  }
0x5c: {  	[sflag:s18] =	ssyncset.done $0x0  }
0x5d: {  	[sflag:s18] =	ssyncadd.s32 $0xFFFFF000  }
.Ltmp5:
0x5e: {  	s1 =	simm.s32 $0x11800;
	s31 =	rddreg [dreg:$0x2];
	(pc) =	sbr.rel @p0 .LBB2_22-.Ltmp5, $4  }
0x5f: {  	[tilespmem:s1], [sflag:$0x3] =	stream.linear.gather [hbm4b:s31+s25], $0x200, $0x38;
	[tilespmem:$0x11A80] =	vst v63  }
0x60: {  	_ =	swait.ge [sflag:s18], $0x200  }
0x61: {  	[sflag:s18] =	ssyncset.done $0x0  }
0x62: {  	s9 =	simm.s32 $0x0;
	[sflag:s18] =	ssyncadd.s32 $0xFFFFFE00  }
0x63: {  	v13 =	vld [tilespmem:s25+$0x0];
	p6 =	sne.s32 s16, $0x1  }
.Ltmp6:
0x64: {  	_ = 	snop;
	(pc) =	sbr.rel @!p6 .LBB2_8-.Ltmp6, $4  }
0x65: {  	_ = 	snop  }
0x66: {  	s0 =	sadd.s32 $0xFFFFFFFF, s16  }
0x67: {  	s1 =	simm.s32 $0x10;
	p1 =	por $0x0, $0x0;
	p2 =	por $0x0, $0x0  }
0x68: {  	p3 =	por $0x0, $0x0;
	p4 =	por $0x0, $0x0;
	p5 =	por $0x0, $0x0;
	v10 =	vperm.xlane v13, v1  }
0x69: {  	v11 =	vld [tilespmem:s1+$0x0];
	vm5 =	veq.s32 v2, $0x0;
	p6 =	sne.s32 s0, $0x1  }
.Ltmp7:
0x6a: {  	v9 =	vsel vm5, $0x0, v10;
	(pc) =	sbr.rel @!p6 .LBB2_10-.Ltmp7, $3  }
0x6b: {  	v9 =	vadd.s32 v13, v9  }
0x6c: {  	v12 =	vperm.xlane v9, v3;
	_ =	sdelay $0x1  }
0x6d: {  	s0 =	sadd.s32 $0xFFFFFFFF, s0;
	s1 =	simm.s32 $0x20;
	p1 =	por $0x1, $0x1;
	v10 =	vperm.xlane v11, v1;
	v14 =	vsel vm1, $0x0, v12  }
0x6e: {  	v13 =	vld [tilespmem:s1+$0x0];
	v12 =	vadd.s32 v14, v9;
	p6 =	sne.s32 s0, $0x1  }
.Ltmp8:
0x6f: {  	v9 =	vsel vm5, $0x0, v10;
	v10 =	vperm.xlane v12, v4;
	(pc) =	sbr.rel @!p6 .LBB2_12-.Ltmp8, $4  }
0x70: {  	v9 =	vadd.s32 v11, v9  }
0x71: {  	v11 =	vperm.xlane v9, v3;
	v10 =	vsel vm2, $0x0, v10  }
0x72: {  	v12 =	vadd.s32 v10, v12  }
0x73: {  	s0 =	sadd.s32 $0xFFFFFFFF, s0;
	s1 =	simm.s32 $0x30;
	p2 =	por $0x1, $0x1;
	v10 =	vperm.xlane v13, v1;
	v14 =	vsel vm1, $0x0, v11;
	v16 =	vperm.xlane v12, v5  }
0x74: {  	v11 =	vld [tilespmem:s1+$0x0];
	vm5 =	veq.s32 v2, $0x0;
	v14 =	vadd.s32 v14, v9;
	p6 =	sne.s32 s0, $0x1  }
.Ltmp9:
0x75: {  	v9 =	vsel vm5, $0x0, v10;
	v10 =	vperm.xlane v14, v4;
	(pc) =	sbr.rel @!p6 .LBB2_14-.Ltmp9, $4  }
0x76: {  	v9 =	vadd.s32 v13, v9  }
0x77: {  	v12 =	vadd.s32 v16, v12;
	v13 =	vperm.xlane v9, v3;
	v10 =	vsel vm2, $0x0, v10  }
0x78: {  	(v2sf) =	vpush v12, $0xF;
	v12 =	vadd.s32 v10, v14  }
0x79: {  	s0 =	sadd.s32 $0xFFFFFFFF, s0;
	s1 =	simm.s32 $0x40;
	p3 =	por $0x1, $0x1;
	v10 =	vperm.xlane v11, v1;
	v14 =	vsel vm1, $0x0, v13;
	v16 =	vperm.xlane v12, v5  }
0x7a: {  	_ = 	snop  }
0x7b: {  	v13 =	vadd.s32 v14, v9;
	v9 =	vsel vm5, $0x0, v10  }
0x7c: {  	v9 =	vadd.s32 v11, v9;
	v11 =	vadd.s32 v16, v12  }
0x7d: {  	(v2sf) =	vpush v11, $0xF;
	_ =	sdelay $0x3  }
0x7e: {  	v17 =	vld [tilespmem:s1+$0x0];
	p6 =	sne.s32 s0, $0x1  }
.Ltmp10:
0x7f: {  	v10 =	vperm.xlane v13, v4;
	(pc) =	sbr.rel @!p6 .LBB2_16-.Ltmp10, $4  }
0x80: {  	_ = 	snop  }
0x81: {  	v12 =	vperm.xlane v9, v3;
	v10 =	vsel vm2, $0x0, v10  }
0x82: {  	v13 =	vadd.s32 v10, v13  }
0x83: {  	s0 =	sadd.s32 $0xFFFFFFFF, s0;
	s1 =	simm.s32 $0x50;
	p4 =	por $0x1, $0x1;
	v10 =	vperm.xlane v17, v1;
	v14 =	vsel vm1, $0x0, v12;
	v15 =	vperm.xlane v13, v5  }
0x84: {  	_ = 	snop  }
0x85: {  	v12 =	vadd.s32 v14, v9;
	v14 =	vadd.s32 v15, v13  }
0x86: {  	(v2sf) =	vpush v14, $0xF;
	_ =	sdelay $0x2  }
0x87: {  	v11 =	vld [tilespmem:s1+$0x0];
	vm5 =	veq.s32 v2, $0x0;
	p6 =	sne.s32 s0, $0x1  }
.Ltmp11:
0x88: {  	v9 =	vsel vm5, $0x0, v10;
	v10 =	vperm.xlane v12, v4;
	(pc) =	sbr.rel @!p6 .LBB2_18-.Ltmp11, $4  }
0x89: {  	v9 =	vadd.s32 v17, v9  }
0x8a: {  	v16 =	vperm.xlane v9, v3;
	v10 =	vsel vm2, $0x0, v10  }
0x8b: {  	s2 =	sadd.s32 $0xFFFFFFFF, s0;
	s9 =	simm.s32 $0x60;
	v12 =	vadd.s32 v10, v12  }
0x8c: {  	s1 =	spop (v2sf);
	p5 =	por $0x1, $0x1;
	s0 =	simm.s32 $0x0;
	v10 =	vperm.xlane v11, v1;
	v14 =	vsel vm1, $0x0, v16;
	v16 =	vperm.xlane v12, v5  }
.LBB2_19:
0x8d: {  	v17 =	vld [tilespmem:s9+$0x0];
	p6 =	sne.s32 s2, $0x1;
	s2 =	sadd.s32 $0xFFFFFFFF, s2;
	v14 =	vadd.s32 v14, v9;
	s0 =	sadd.s32 s0, s1  }
.Ltmp12:
0x8e: {  	v9 =	vsel vm5, $0x0, v10;
	v10 =	vperm.xlane v14, v4;
	v12 =	vadd.s32 v16, v12;
	(pc) =	sbr.rel @p6 .LBB2_19-.Ltmp12, $4  }
0x8f: {  	v9 =	vadd.s32 v11, v9;
	(v2sf) =	vpush v12, $0xF  }
0x90: {  	v18 =	vperm.xlane v9, v3;
	v10 =	vsel vm2, $0x0, v10  }
0x91: {  	v12 =	vadd.s32 v10, v14;
	_ =	sdelay $0x1  }
0x92: {  	s9 =	sadd.s32 $0x10, s9;
	v10 =	vperm.xlane v17, v1;
	v14 =	vsel vm1, $0x0, v18;
	v16 =	vperm.xlane v12, v5;
	s1 =	spop (v2sf);
	v11 =	vmovc v17  }
0x93: {  	_ = 	snop  }
.LBB2_21:
0x94: {  	vm5 =	veq.s32 v2, $0x0  }
0x95: {  	v10 =	vsel vm5, $0x0, v10  }
0x96: {  	v9 =	vadd.s32 @p1 v14, v9;
	v10 =	vadd.s32 v11, v10  }
0x97: {  	v11 =	vperm.xlane @p1 v9, v4;
	v62 =	vperm.xlane v10, v3;
	_ =	sdelay $0x1  }
0x98: {  	v11 =	vsel @p1 vm2, $0x0, v11;
	v14 =	vsel vm1, $0x0, v62  }
0x99: {  	v9 =	vadd.s32 @p1 v11, v9;
	v10 =	vadd.s32 v14, v10  }
0x9a: {  	v11 =	vadd.s32 @p2 v16, v12;
	v12 =	vperm.xlane @p1 v9, v5;
	v14 =	vperm.xlane v10, v4  }
0x9b: {  	(v2sf) =	vpush @p2 v11, $0xF  }
0x9c: {  	v9 =	vpsel p1, v9, v13;
	v11 =	vpsel p1, v12, v15;
	v63 =	vsel vm2, $0x0, v14  }
0x9d: {  	v9 =	vadd.s32 @p1 v11, v9;
	v10 =	vadd.s32 v63, v10  }
0x9e: {  	(v2sf) =	vpush @p1 v9, $0xF;
	v9 =	vperm.xlane v10, v5;
	_ =	sdelay $0x1  }
0x9f: {  	v9 =	vadd.s32 v9, v10  }
0xa0: {  	(v2sf) =	vpush v9, $0xF;
	_ =	sdelay $0x5  }
0xa1: {  	s2 =	spop @p4 (v2sf);
	s0 =	sadd.s32 @p5 s0, s1;
	s1 =	simm.s32 $0x0  }
0xa2: {  	s2 =	smov.u32 @p4 s2;
	s1 =	smov.u32 @p5 s0  }
0xa3: {  	s1 =	sadd.s32 @p4 s1, s2;
	s2 =	simm.s32 $0x0;
	s0 =	spop @p3 (v2sf)  }
0xa4: {  	s2 =	smov.u32 @p4 s1;
	s0 =	smov.u32 @p3 s0  }
0xa5: {  	s0 =	sadd.s32 @p3 s2, s0;
	s2 =	simm.s32 $0x0;
	s1 =	spop @p2 (v2sf)  }
0xa6: {  	s2 =	smov.u32 @p3 s0;
	s1 =	smov.u32 @p2 s1  }
0xa7: {  	s0 =	sadd.s32 @p2 s2, s1;
	s2 =	simm.s32 $0x0;
	s1 =	spop @p1 (v2sf)  }
0xa8: {  	s2 =	smov.u32 @p2 s0;
	s1 =	smov.u32 @p1 s1  }
0xa9: {  	s0 =	sadd.s32 @p1 s2, s1;
	s1 =	simm.s32 $0x0  }
0xaa: {  	s1 =	smov.u32 @p1 s0;
	s31 =	spop (v2sf)  }
0xab: {  	s9 =	sadd.s32 s1, s31  }
.LBB2_22:
0xac: {  	s0 =	sand.u32 $0x380, s25  }
0xad: {  	s1 =	sand.u32 $0x40, s25;
	s0 =	sadd.s32 s0, s5  }
0xae: {  	s0 =	sadd.s32 s1, s0  }
0xaf: {  	v9 =	vld [tilespmem:s0+$0x0];
	_ =	sdelay $0x4  }
0xb0: {  	v10 =	vperm.xlane v9, v1  }
0xb1: {  	vm5 =	veq.s32 v2, $0x0  }
0xb2: {  	v10 =	vsel vm5, $0x0, v10  }
0xb3: {  	v10 =	vadd.s32 v9, v10  }
0xb4: {  	v11 =	vperm.xlane v10, v3;
	_ =	sdelay $0x1  }
0xb5: {  	v11 =	vsel vm1, $0x0, v11  }
0xb6: {  	v10 =	vadd.s32 v11, v10  }
0xb7: {  	v11 =	vperm.xlane v10, v4;
	_ =	sdelay $0x1  }
0xb8: {  	v11 =	vsel vm2, $0x0, v11  }
0xb9: {  	v10 =	vadd.s32 v11, v10  }
0xba: {  	v11 =	vperm.xlane v10, v5  }
0xbb: {  	v12 =	vmov s9  }
0xbc: {  	s17 =	ssub.s32 s5, s9;
	v12 =	vadd.s32 $0xFFFFFFFF, v12;
	v11 =	vsel vm3, $0x0, v11  }
0xbd: {  	s12 =	sadd.s32 s26, s17;
	v10 =	vadd.s32 v11, v10;
	v11 =	vbroadcast v12, $0x0  }
0xbe: {  	v57 =	vsub.s32 s12, v10  }
0xbf: {  	vm6 =	vgt.s32 v9, $0x0;
	v9 =	vadd.s32 v10, v11;
	v11 =	vadd.s32 v2, v57  }
0xc0: {  	v9 =	vsel vm6, v9, v11  }
0xc1: {  	s1 =	simm.s32 $0x1020;
	v9 =	vadd.s32 v0, v9  }
0xc2: {  	[tilespmem:s1+$0xFFFFFFE0] =	vst v9  }
0xc3: {  	v9 =	vld [tilespmem:s0+$0x10]  }
0xc4: {  	(v2sf) =	vpush v10, $0xF;
	_ =	sdelay $0x3  }
0xc5: {  	v10 =	vperm.xlane v9, v1;
	_ =	sdelay $0x1  }
0xc6: {  	v10 =	vsel vm5, $0x0, v10  }
0xc7: {  	v10 =	vadd.s32 v9, v10  }
0xc8: {  	v11 =	vperm.xlane v10, v3;
	_ =	sdelay $0x1  }
0xc9: {  	v11 =	vsel vm1, $0x0, v11  }
0xca: {  	v10 =	vadd.s32 v11, v10  }
0xcb: {  	v11 =	vperm.xlane v10, v4;
	_ =	sdelay $0x1  }
0xcc: {  	s2 =	sadd.s32 $0x10, s26;
	v11 =	vsel vm2, $0x0, v11  }
0xcd: {  	[dreg:$0x5] =	wrdreg s2;
	s2 =	spop (v2sf);
	v10 =	vadd.s32 v11, v10  }
0xce: {  	s20 =	sadd.s32 s9, s2;
	v11 =	vperm.xlane v10, v5  }
0xcf: {  	v58 =	vmov s20  }
0xd0: {  	s23 =	rddreg [dreg:$0x5];
	s17 =	ssub.s32 s17, s2;
	v12 =	vadd.s32 $0xFFFFFFFF, v58;
	v11 =	vsel vm3, $0x0, v11  }
0xd1: {  	s23 =	sadd.s32 s17, s23;
	v10 =	vadd.s32 v11, v10;
	v11 =	vbroadcast v12, $0x0  }
0xd2: {  	v59 =	vsub.s32 s23, v10  }
0xd3: {  	vm6 =	vgt.s32 v9, $0x0;
	v9 =	vadd.s32 v10, v11;
	v11 =	vadd.s32 v2, v59  }
0xd4: {  	v9 =	vsel vm6, v9, v11  }
0xd5: {  	v9 =	vadd.s32 v0, v9  }
0xd6: {  	[tilespmem:s1+$0xFFFFFFF0] =	vst v9  }
0xd7: {  	v9 =	vld [tilespmem:s0+$0x20]  }
0xd8: {  	(v2sf) =	vpush v10, $0xF;
	_ =	sdelay $0x3  }
0xd9: {  	v10 =	vperm.xlane v9, v1;
	_ =	sdelay $0x1  }
0xda: {  	v10 =	vsel vm5, $0x0, v10  }
0xdb: {  	v10 =	vadd.s32 v9, v10  }
0xdc: {  	v11 =	vperm.xlane v10, v3;
	_ =	sdelay $0x1  }
0xdd: {  	v11 =	vsel vm1, $0x0, v11  }
0xde: {  	v10 =	vadd.s32 v11, v10  }
0xdf: {  	v11 =	vperm.xlane v10, v4;
	_ =	sdelay $0x1  }
0xe0: {  	v11 =	vsel vm2, $0x0, v11  }
0xe1: {  	s23 =	spop (v2sf);
	v10 =	vadd.s32 v11, v10  }
0xe2: {  	s9 =	sadd.s32 s20, s23;
	v11 =	vperm.xlane v10, v5  }
0xe3: {  	v60 =	vmov s9  }
0xe4: {  	s28 =	sadd.s32 $0x20, s26;
	s17 =	ssub.s32 s17, s23;
	v12 =	vadd.s32 $0xFFFFFFFF, v60;
	v11 =	vsel vm3, $0x0, v11  }
0xe5: {  	s29 =	sadd.s32 s17, s28;
	v10 =	vadd.s32 v11, v10;
	v11 =	vbroadcast v12, $0x0  }
0xe6: {  	v61 =	vsub.s32 s29, v10  }
0xe7: {  	vm6 =	vgt.s32 v9, $0x0;
	v9 =	vadd.s32 v10, v11;
	v11 =	vadd.s32 v2, v61  }
0xe8: {  	v9 =	vsel vm6, v9, v11  }
0xe9: {  	v9 =	vadd.s32 v0, v9  }
0xea: {  	[tilespmem:s1+$0x0] =	vst v9  }
0xeb: {  	v9 =	vld [tilespmem:s0+$0x30]  }
0xec: {  	(v2sf) =	vpush v10, $0xF;
	_ =	sdelay $0x3  }
0xed: {  	v10 =	vperm.xlane v9, v1;
	_ =	sdelay $0x1  }
0xee: {  	v10 =	vsel vm5, $0x0, v10  }
0xef: {  	v10 =	vadd.s32 v9, v10  }
0xf0: {  	v11 =	vperm.xlane v10, v3;
	_ =	sdelay $0x1  }
0xf1: {  	v11 =	vsel vm1, $0x0, v11  }
0xf2: {  	v10 =	vadd.s32 v11, v10  }
0xf3: {  	v11 =	vperm.xlane v10, v4;
	_ =	sdelay $0x1  }
0xf4: {  	v11 =	vsel vm2, $0x0, v11  }
0xf5: {  	s30 =	spop (v2sf);
	v10 =	vadd.s32 v11, v10  }
0xf6: {  	s20 =	sadd.s32 s9, s30;
	v11 =	vperm.xlane v10, v5  }
0xf7: {  	v62 =	vmov s20  }
0xf8: {  	s29 =	sadd.s32 $0x30, s26;
	s17 =	ssub.s32 s17, s30;
	v12 =	vadd.s32 $0xFFFFFFFF, v62;
	v11 =	vsel vm3, $0x0, v11  }
0xf9: {  	s12 =	sadd.s32 s17, s29;
	v10 =	vadd.s32 v11, v10;
	v11 =	vbroadcast v12, $0x0  }
0xfa: {  	v63 =	vsub.s32 s12, v10;
	(v2sf) =	vpush v10, $0xF  }
0xfb: {  	vm6 =	vgt.s32 v9, $0x0;
	s9 =	simm.s32 $0x40;
	v9 =	vadd.s32 v10, v11;
	v10 =	vadd.s32 v2, v63  }
0xfc: {  	s12 =	sand.u32 $0x380, s9;
	v9 =	vsel vm6, v9, v10  }
0xfd: {  	s0 =	sand.u32 $0x40, s9;
	s9 =	sadd.s32 s12, s5;
	v9 =	vadd.s32 v0, v9  }
0xfe: {  	s0 =	sadd.s32 s0, s9;
	[tilespmem:s1+$0x10] =	vst v9  }
0xff: {  	v9 =	vld [tilespmem:s0+$0x0];
	_ =	sdelay $0x4  }
0x100: {  	v10 =	vperm.xlane v9, v1;
	_ =	sdelay $0x1  }
0x101: {  	v10 =	vsel vm5, $0x0, v10  }
0x102: {  	v10 =	vadd.s32 v9, v10  }
0x103: {  	s31 =	simm.s32 $0x10A0;
	s23 =	sadd.s32 s2, s23;
	s9 =	simm.s32 $0x80;
	v11 =	vperm.xlane v10, v3  }
0x104: {  	s1 =	sadd.s32 s30, s23;
	s30 =	simm.s32 $0x1;
	s12 =	spop (v2sf)  }
0x105: {  	v11 =	vsel vm1, $0x0, v11;
	s2 =	sadd.s32 s12, s1;
	s23 =	sadd.s32 s20, s12;
	s17 =	ssub.s32 s17, s12  }
.LBB2_23:
0x106: {  	v10 =	vadd.s32 v11, v10  }
0x107: {  	v11 =	vperm.xlane v10, v4;
	_ =	sdelay $0x1  }
0x108: {  	v11 =	vsel vm2, $0x0, v11  }
0x109: {  	v10 =	vadd.s32 v11, v10  }
0x10a: {  	v11 =	vperm.xlane v10, v5  }
0x10b: {  	v12 =	vmov s23  }
0x10c: {  	s12 =	sadd.s32 $0x40, s17;
	v12 =	vadd.s32 $0xFFFFFFFF, v12;
	v11 =	vsel vm3, $0x0, v11  }
0x10d: {  	s17 =	sadd.s32 s26, s12;
	v10 =	vadd.s32 v11, v10;
	v11 =	vbroadcast v12, $0x0  }
0x10e: {  	vm6 =	vgt.s32 v9, $0x0;
	v60 =	vsub.s32 s17, v10  }
0x10f: {  	(v2sf) =	vpush v10, $0xF;
	v9 =	vadd.s32 v10, v11;
	v10 =	vadd.s32 v2, v60  }
0x110: {  	v9 =	vsel vm6, v9, v10  }
0x111: {  	v9 =	vadd.s32 v0, v9  }
0x112: {  	[tilespmem:s31+$0xFFFFFFE0] =	vst v9  }
0x113: {  	v9 =	vld [tilespmem:s0+$0x10];
	_ =	sdelay $0x4  }
0x114: {  	v10 =	vperm.xlane v9, v1;
	_ =	sdelay $0x1  }
0x115: {  	v10 =	vsel vm5, $0x0, v10  }
0x116: {  	v10 =	vadd.s32 v9, v10  }
0x117: {  	v11 =	vperm.xlane v10, v3;
	_ =	sdelay $0x1  }
0x118: {  	v11 =	vsel vm1, $0x0, v11  }
0x119: {  	v10 =	vadd.s32 v11, v10  }
0x11a: {  	v61 =	vperm.xlane v10, v4;
	_ =	sdelay $0x1  }
0x11b: {  	[smem:s25] =	sst s2;
	s2 =	smov.u32 s9;
	v12 =	vsel vm2, $0x0, v61  }
0x11c: {  	s1 =	sadd.s32 $0x40, s9;
	p1 =	sne.s32 s9, $0x3C0;
	s9 =	spop (v2sf);
	v10 =	vadd.s32 v12, v10  }
0x11d: {  	s17 =	sadd.s32 s23, s9;
	v12 =	vperm.xlane v10, v5  }
0x11e: {  	v11 =	vmov s17  }
0x11f: {  	s20 =	rddreg [dreg:$0x5];
	s12 =	ssub.s32 s12, s9;
	v11 =	vadd.s32 $0xFFFFFFFF, v11;
	v12 =	vsel vm3, $0x0, v12  }
0x120: {  	s20 =	sadd.s32 s12, s20;
	v11 =	vbroadcast v11, $0x0;
	v10 =	vadd.s32 v12, v10  }
0x121: {  	vm6 =	vgt.s32 v9, $0x0;
	v12 =	vsub.s32 s20, v10  }
0x122: {  	(v2sf) =	vpush v10, $0xF;
	v9 =	vadd.s32 v10, v11;
	v10 =	vadd.s32 v2, v12  }
0x123: {  	v9 =	vsel vm6, v9, v10  }
0x124: {  	v9 =	vadd.s32 v0, v9  }
0x125: {  	[tilespmem:s31+$0xFFFFFFF0] =	vst v9  }
0x126: {  	v9 =	vld [tilespmem:s0+$0x20];
	_ =	sdelay $0x4  }
0x127: {  	v10 =	vperm.xlane v9, v1;
	_ =	sdelay $0x1  }
0x128: {  	v10 =	vsel vm5, $0x0, v10  }
0x129: {  	v10 =	vadd.s32 v9, v10  }
0x12a: {  	v11 =	vperm.xlane v10, v3;
	_ =	sdelay $0x1  }
0x12b: {  	v11 =	vsel vm1, $0x0, v11  }
0x12c: {  	v10 =	vadd.s32 v11, v10  }
0x12d: {  	v62 =	vperm.xlane v10, v4;
	_ =	sdelay $0x1  }
0x12e: {  	v12 =	vsel vm2, $0x0, v62  }
0x12f: {  	s20 =	spop (v2sf);
	v10 =	vadd.s32 v12, v10  }
0x130: {  	s23 =	sadd.s32 s9, s20;
	s9 =	sadd.s32 s17, s20;
	v12 =	vperm.xlane v10, v5  }
0x131: {  	v11 =	vmov s9  }
0x132: {  	s12 =	ssub.s32 s12, s20;
	v11 =	vadd.s32 $0xFFFFFFFF, v11;
	v12 =	vsel vm3, $0x0, v12  }
0x133: {  	s20 =	sadd.s32 s12, s28;
	v11 =	vbroadcast v11, $0x0;
	v10 =	vadd.s32 v12, v10  }
0x134: {  	vm6 =	vgt.s32 v9, $0x0;
	v12 =	vsub.s32 s20, v10  }
0x135: {  	(v2sf) =	vpush v10, $0xF;
	v9 =	vadd.s32 v10, v11;
	v10 =	vadd.s32 v2, v12  }
0x136: {  	v9 =	vsel vm6, v9, v10  }
0x137: {  	v9 =	vadd.s32 v0, v9  }
0x138: {  	[tilespmem:s31+$0x0] =	vst v9  }
0x139: {  	v9 =	vld [tilespmem:s0+$0x30];
	_ =	sdelay $0x4  }
0x13a: {  	v10 =	vperm.xlane v9, v1;
	_ =	sdelay $0x1  }
0x13b: {  	v10 =	vsel vm5, $0x0, v10  }
0x13c: {  	v10 =	vadd.s32 v9, v10  }
0x13d: {  	v11 =	vperm.xlane v10, v3;
	_ =	sdelay $0x1  }
0x13e: {  	v11 =	vsel vm1, $0x0, v11  }
0x13f: {  	v10 =	vadd.s32 v11, v10  }
0x140: {  	v63 =	vperm.xlane v10, v4;
	_ =	sdelay $0x1  }
0x141: {  	v12 =	vsel vm2, $0x0, v63  }
0x142: {  	v10 =	vadd.s32 v12, v10  }
0x143: {  	s20 =	spop (v2sf);
	v12 =	vperm.xlane v10, v5  }
0x144: {  	s9 =	sadd.s32 s9, s20  }
0x145: {  	v11 =	vmov s9;
	v12 =	vsel vm3, $0x0, v12  }
0x146: {  	s17 =	ssub.s32 s12, s20;
	v11 =	vadd.s32 $0xFFFFFFFF, v11;
	v10 =	vadd.s32 v12, v10  }
0x147: {  	s12 =	sadd.s32 s17, s29;
	v11 =	vbroadcast v11, $0x0;
	(v2sf) =	vpush v10, $0xF  }
0x148: {  	v12 =	vsub.s32 s12, v10  }
0x149: {  	vm6 =	vgt.s32 v9, $0x0;
	v9 =	vadd.s32 v10, v11;
	v10 =	vadd.s32 v2, v12  }
0x14a: {  	s12 =	sand.u32 $0x380, s2;
	v9 =	vsel vm6, v9, v10  }
0x14b: {  	s2 =	sand.u32 $0x40, s2;
	s0 =	sadd.s32 s12, s5;
	v9 =	vadd.s32 v0, v9  }
0x14c: {  	s0 =	sadd.s32 s2, s0;
	[tilespmem:s31+$0x10] =	vst v9  }
0x14d: {  	v9 =	vld [tilespmem:s0+$0x0];
	_ =	sdelay $0x4  }
0x14e: {  	v10 =	vperm.xlane v9, v1;
	_ =	sdelay $0x1  }
.Ltmp13:
0x14f: {  	v10 =	vsel vm5, $0x0, v10;
	(pc) =	sbr.rel @p1 .LBB2_23-.Ltmp13, $4  }
0x150: {  	v10 =	vadd.s32 v9, v10  }
0x151: {  	s25 =	smov.u32 s30;
	s12 =	sadd.s32 s20, s23;
	v11 =	vperm.xlane v10, v3;
	s20 =	spop (v2sf)  }
0x152: {  	s30 =	sadd.s32 $0x1, s30;
	s31 =	sadd.s32 $0x80, s31;
	s2 =	sadd.s32 s20, s12  }
0x153: {  	v11 =	vsel vm1, $0x0, v11;
	s23 =	sadd.s32 s9, s20;
	s17 =	ssub.s32 s17, s20;
	s9 =	smov.u32 s1  }
0x154: {  	v10 =	vadd.s32 v11, v10  }
0x155: {  	v11 =	vperm.xlane v10, v4;
	_ =	sdelay $0x1  }
0x156: {  	v11 =	vsel vm2, $0x0, v11  }
0x157: {  	v10 =	vadd.s32 v11, v10  }
0x158: {  	v11 =	vperm.xlane v10, v5  }
0x159: {  	v12 =	vmov s23  }
0x15a: {  	s9 =	sadd.s32 $0x40, s17;
	v12 =	vadd.s32 $0xFFFFFFFF, v12;
	v11 =	vsel vm3, $0x0, v11  }
0x15b: {  	s1 =	sadd.s32 s26, s9;
	v10 =	vadd.s32 v11, v10;
	v11 =	vbroadcast v12, $0x0  }
0x15c: {  	v57 =	vsub.s32 s1, v10  }
0x15d: {  	vm6 =	vgt.s32 v9, $0x0;
	v9 =	vadd.s32 v10, v11;
	v11 =	vadd.s32 v2, v57  }
0x15e: {  	v9 =	vsel vm6, v9, v11  }
0x15f: {  	v9 =	vadd.s32 v0, v9  }
0x160: {  	[tilespmem:s31+$0xFFFFFFE0] =	vst v9  }
0x161: {  	v9 =	vld [tilespmem:s0+$0x10]  }
0x162: {  	(v2sf) =	vpush v10, $0xF;
	_ =	sdelay $0x3  }
0x163: {  	v10 =	vperm.xlane v9, v1;
	_ =	sdelay $0x1  }
0x164: {  	v10 =	vsel vm5, $0x0, v10  }
0x165: {  	v10 =	vadd.s32 v9, v10  }
0x166: {  	v11 =	vperm.xlane v10, v3;
	_ =	sdelay $0x1  }
0x167: {  	v11 =	vsel vm1, $0x0, v11  }
0x168: {  	v10 =	vadd.s32 v11, v10  }
0x169: {  	v11 =	vperm.xlane v10, v4;
	_ =	sdelay $0x1  }
0x16a: {  	v11 =	vsel vm2, $0x0, v11  }
0x16b: {  	s1 =	spop (v2sf);
	v10 =	vadd.s32 v11, v10  }
0x16c: {  	s12 =	sadd.s32 s23, s1;
	v11 =	vperm.xlane v10, v5  }
0x16d: {  	v58 =	vmov s12  }
0x16e: {  	s23 =	rddreg [dreg:$0x5];
	s9 =	ssub.s32 s9, s1;
	v12 =	vadd.s32 $0xFFFFFFFF, v58;
	v11 =	vsel vm3, $0x0, v11  }
0x16f: {  	s17 =	sadd.s32 s9, s23;
	v10 =	vadd.s32 v11, v10;
	v11 =	vbroadcast v12, $0x0  }
0x170: {  	v59 =	vsub.s32 s17, v10  }
0x171: {  	vm6 =	vgt.s32 v9, $0x0;
	v9 =	vadd.s32 v10, v11;
	v11 =	vadd.s32 v2, v59  }
0x172: {  	v9 =	vsel vm6, v9, v11  }
0x173: {  	v9 =	vadd.s32 v0, v9  }
0x174: {  	[tilespmem:s31+$0xFFFFFFF0] =	vst v9  }
0x175: {  	v9 =	vld [tilespmem:s0+$0x20]  }
0x176: {  	(v2sf) =	vpush v10, $0xF;
	_ =	sdelay $0x3  }
0x177: {  	v10 =	vperm.xlane v9, v1;
	_ =	sdelay $0x1  }
0x178: {  	v10 =	vsel vm5, $0x0, v10  }
0x179: {  	v10 =	vadd.s32 v9, v10  }
0x17a: {  	v11 =	vperm.xlane v10, v3;
	_ =	sdelay $0x1  }
0x17b: {  	v11 =	vsel vm1, $0x0, v11  }
0x17c: {  	v10 =	vadd.s32 v11, v10  }
0x17d: {  	v11 =	vperm.xlane v10, v4;
	_ =	sdelay $0x1  }
0x17e: {  	v11 =	vsel vm2, $0x0, v11  }
0x17f: {  	s26 =	spop (v2sf);
	v10 =	vadd.s32 v11, v10  }
0x180: {  	s12 =	sadd.s32 s12, s26;
	v11 =	vperm.xlane v10, v5  }
0x181: {  	v60 =	vmov s12  }
0x182: {  	s9 =	ssub.s32 s9, s26;
	v12 =	vadd.s32 $0xFFFFFFFF, v60;
	v11 =	vsel vm3, $0x0, v11  }
0x183: {  	s20 =	sadd.s32 s9, s28;
	v10 =	vadd.s32 v11, v10;
	v11 =	vbroadcast v12, $0x0  }
0x184: {  	v61 =	vsub.s32 s20, v10  }
0x185: {  	vm6 =	vgt.s32 v9, $0x0;
	v9 =	vadd.s32 v10, v11;
	v11 =	vadd.s32 v2, v61  }
0x186: {  	v9 =	vsel vm6, v9, v11  }
0x187: {  	v9 =	vadd.s32 v0, v9  }
0x188: {  	[tilespmem:s31+$0x0] =	vst v9  }
0x189: {  	v9 =	vld [tilespmem:s0+$0x30];
	_ =	sdelay $0x4  }
0x18a: {  	v11 =	vperm.xlane v9, v1;
	_ =	sdelay $0x1  }
0x18b: {  	v11 =	vsel vm5, $0x0, v11  }
0x18c: {  	v11 =	vadd.s32 v9, v11  }
0x18d: {  	v62 =	vperm.xlane v11, v3  }
0x18e: {  	(v2sf) =	vpush v10, $0xF  }
0x18f: {  	v12 =	vsel vm1, $0x0, v62  }
0x190: {  	v10 =	vadd.s32 v12, v11  }
0x191: {  	v11 =	vperm.xlane v10, v4;
	_ =	sdelay $0x1  }
0x192: {  	v11 =	vsel vm2, $0x0, v11  }
0x193: {  	v10 =	vadd.s32 v11, v10  }
0x194: {  	v11 =	vperm.xlane v10, v5;
	_ =	sdelay $0x1  }
0x195: {  	v11 =	vsel vm3, $0x0, v11  }
0x196: {  	v10 =	vadd.s32 v11, v10  }
0x197: {  	(v2sf) =	vpush v10, $0xF;
	_ =	sdelay $0x3  }
0x198: {  	s28 =	spop (v2sf)  }
0x199: {  	s12 =	sadd.s32 s12, s28  }
0x19a: {  	v11 =	vmov s12  }
0x19b: {  	s9 =	ssub.s32 s9, s28;
	v11 =	vadd.s32 $0xFFFFFFFF, v11  }
0x19c: {  	s9 =	sadd.s32 s9, s29;
	v11 =	vbroadcast v11, $0x0  }
0x19d: {  	v63 =	vsub.s32 s9, v10  }
0x19e: {  	vm5 =	vgt.s32 v9, $0x0;
	v9 =	vadd.s32 v10, v11;
	v10 =	vadd.s32 v2, v63  }
0x19f: {  	v9 =	vsel vm5, v9, v10  }
0x1a0: {  	v9 =	vadd.s32 v0, v9  }
.Ltmp14:
0x1a1: {  	s23 =	simm.s32 $0x0;
	s1 =	sadd.s32 s1, s26;
	[tilespmem:s31+$0x10] =	vst v9;
	(pc) =	sbr.rel .LBB2_25-.Ltmp14, $4  }
0x1a2: {  	[tilespmem:s19], [sflag:$0x1] =	stream.linear.gather [hbm4b:s7+s23], $0x8000, $0x38;
	[tilespmem:$0x11A80] =	vst v63  }
0x1a3: {  	s0 =	sadd.s32 s28, s1;
	s31 =	spop (v2sf)  }
0x1a4: {  	[smem:s25] =	sst s2;
	s0 =	sadd.s32 s31, s0  }
0x1a5: {  	[smem:s30] =	sst s0  }
.LBB2_31:
0x1a6: {  	s9 =	sshll.u32 s23, $0x7  }
0x1a7: {  	s9 =	sand.u32 $0x3FFFFF80, s9  }
0x1a8: {  	v9 =	vld [tilespmem:s9+$0x1000];
	_ =	sdelay $0x4  }
0x1a9: {  	v10 =	vshll.u32 v9, $0x2  }
0x1aa: {  	v9 =	vand.u32 $0x7, v9;
	v10 =	vand.u32 $0xFFFFFFE0, v10  }
0x1ab: {  	v9 =	vor.u32 v9, v10  }
0x1ac: {  	v10 =	vperm.xlane v9, v6;
	_ =	sdelay $0x1  }
0x1ad: {  	v10 =	vadd.s32 v7, v10;
	_ =	sdelay $0x1  }
0x1ae: {  	v9 =	vperm.xlane v9, v8;
	_ =	sdelay $0x1  }
0x1af: {  	v9 =	vadd.s32 v7, v9  }
0x1b0: {  	[hbm4b:s3+s4] =	stream.indirect_vreg.scatter [tilespmem:s2], [sflag:$0x2], $0x80, v10, vm4, $0xb8;
	[tilespmem:$0x11A80] =	vst v63  }
0x1b1: {  	s26 =	sadd.s32 $0x2000, s1  }
0x1b2: {  	[hbm4b:s10+s4] =	stream.indirect_vreg.scatter [tilespmem:s26], [sflag:$0x2], $0x80, v10, vm4, $0xb8;
	[tilespmem:$0x11A80] =	vst v63  }
0x1b3: {  	s28 =	sadd.s32 $0x2800, s1  }
0x1b4: {  	[hbm4b:s3+s4] =	stream.indirect_vreg.scatter [tilespmem:s28], [sflag:$0x2], $0x80, v9, vm4, $0xb8;
	[tilespmem:$0x11A80] =	vst v63  }
0x1b5: {  	s29 =	sadd.s32 $0x3000, s1  }
0x1b6: {  	[hbm4b:s10+s4] =	stream.indirect_vreg.scatter [tilespmem:s29], [sflag:$0x2], $0x80, v9, vm4, $0xb8;
	[tilespmem:$0x11A80] =	vst v63  }
0x1b7: {  	v9 =	vld [tilespmem:s9+$0x1010];
	_ =	sdelay $0x4  }
0x1b8: {  	v10 =	vshll.u32 v9, $0x2  }
0x1b9: {  	v9 =	vand.u32 $0x7, v9;
	v10 =	vand.u32 $0xFFFFFFE0, v10  }
0x1ba: {  	v9 =	vor.u32 v9, v10  }
0x1bb: {  	v10 =	vperm.xlane v9, v6;
	_ =	sdelay $0x1  }
0x1bc: {  	v10 =	vadd.s32 v7, v10;
	_ =	sdelay $0x1  }
0x1bd: {  	v9 =	vperm.xlane v9, v8;
	_ =	sdelay $0x1  }
0x1be: {  	s30 =	sadd.s32 $0x3800, s1;
	v9 =	vadd.s32 v7, v9  }
0x1bf: {  	[hbm4b:s3+s4] =	stream.indirect_vreg.scatter [tilespmem:s30], [sflag:$0x2], $0x80, v10, vm4, $0xb8;
	[tilespmem:$0x11A80] =	vst v63  }
0x1c0: {  	s31 =	sadd.s32 $0x4000, s1  }
0x1c1: {  	[hbm4b:s10+s4] =	stream.indirect_vreg.scatter [tilespmem:s31], [sflag:$0x2], $0x80, v10, vm4, $0xb8;
	[tilespmem:$0x11A80] =	vst v63  }
0x1c2: {  	s12 =	sadd.s32 $0x4800, s1  }
0x1c3: {  	[hbm4b:s3+s4] =	stream.indirect_vreg.scatter [tilespmem:s12], [sflag:$0x2], $0x80, v9, vm4, $0xb8;
	[tilespmem:$0x11A80] =	vst v63  }
0x1c4: {  	s17 =	sadd.s32 $0x5000, s1  }
0x1c5: {  	[hbm4b:s10+s4] =	stream.indirect_vreg.scatter [tilespmem:s17], [sflag:$0x2], $0x80, v9, vm4, $0xb8;
	[tilespmem:$0x11A80] =	vst v63  }
0x1c6: {  	v9 =	vld [tilespmem:s9+$0x1020];
	_ =	sdelay $0x4  }
0x1c7: {  	v10 =	vshll.u32 v9, $0x2  }
0x1c8: {  	v9 =	vand.u32 $0x7, v9;
	v10 =	vand.u32 $0xFFFFFFE0, v10  }
0x1c9: {  	v9 =	vor.u32 v9, v10  }
0x1ca: {  	v10 =	vperm.xlane v9, v6;
	_ =	sdelay $0x1  }
0x1cb: {  	v10 =	vadd.s32 v7, v10;
	_ =	sdelay $0x1  }
0x1cc: {  	v9 =	vperm.xlane v9, v8;
	_ =	sdelay $0x1  }
0x1cd: {  	s20 =	sadd.s32 $0x5800, s1;
	v9 =	vadd.s32 v7, v9  }
0x1ce: {  	[hbm4b:s3+s4] =	stream.indirect_vreg.scatter [tilespmem:s20], [sflag:$0x2], $0x80, v10, vm4, $0xb8;
	[tilespmem:$0x11A80] =	vst v63  }
0x1cf: {  	s23 =	sadd.s32 $0x6000, s1  }
0x1d0: {  	[hbm4b:s10+s4] =	stream.indirect_vreg.scatter [tilespmem:s23], [sflag:$0x2], $0x80, v10, vm4, $0xb8;
	[tilespmem:$0x11A80] =	vst v63  }
0x1d1: {  	s25 =	sadd.s32 $0x6800, s1  }
0x1d2: {  	[hbm4b:s3+s4] =	stream.indirect_vreg.scatter [tilespmem:s25], [sflag:$0x2], $0x80, v9, vm4, $0xb8;
	[tilespmem:$0x11A80] =	vst v63  }
0x1d3: {  	s26 =	sadd.s32 $0x7000, s1  }
0x1d4: {  	[hbm4b:s10+s4] =	stream.indirect_vreg.scatter [tilespmem:s26], [sflag:$0x2], $0x80, v9, vm4, $0xb8;
	[tilespmem:$0x11A80] =	vst v63  }
0x1d5: {  	v9 =	vld [tilespmem:s9+$0x1030];
	_ =	sdelay $0x4  }
0x1d6: {  	v10 =	vshll.u32 v9, $0x2  }
0x1d7: {  	v9 =	vand.u32 $0x7, v9;
	v10 =	vand.u32 $0xFFFFFFE0, v10  }
0x1d8: {  	v9 =	vor.u32 v9, v10  }
0x1d9: {  	v10 =	vperm.xlane v9, v6;
	_ =	sdelay $0x1  }
0x1da: {  	v10 =	vadd.s32 v7, v10;
	_ =	sdelay $0x2  }
0x1db: {  	v9 =	vperm.xlane v9, v8  }
0x1dc: {  	s28 =	sadd.s32 $0x7800, s1  }
0x1dd: {  	v9 =	vadd.s32 v7, v9;
	[hbm4b:s3+s4] =	stream.indirect_vreg.scatter [tilespmem:s28], [sflag:$0x2], $0x80, v10, vm4, $0xb8;
	[tilespmem:$0x11A80] =	vst v63  }
0x1de: {  	p1 =	sne.s32 s0, $0x10;
	s29 =	sadd.s32 $0x8000, s1  }
0x1df: {  	[hbm4b:s10+s4] =	stream.indirect_vreg.scatter [tilespmem:s29], [sflag:$0x2], $0x80, v10, vm4, $0xb8;
	[tilespmem:$0x11A80] =	vst v63  }
.Ltmp15:
0x1e0: {  	_ = 	snop;
	(pc) =	sbr.rel @!p1 .LBB2_32-.Ltmp15, $4  }
0x1e1: {  	s30 =	sadd.s32 $0x8800, s1  }
0x1e2: {  	[hbm4b:s3+s4] =	stream.indirect_vreg.scatter [tilespmem:s30], [sflag:$0x2], $0x80, v9, vm4, $0xb8;
	[tilespmem:$0x11A80] =	vst v63  }
0x1e3: {  	s31 =	sadd.s32 $0x9000, s1;
	s23 =	smov.u32 s0  }
0x1e4: {  	[hbm4b:s10+s4] =	stream.indirect_vreg.scatter [tilespmem:s31], [sflag:$0x2], $0x80, v9, vm4, $0xb8;
	[tilespmem:$0x11A80] =	vst v63  }
.LBB2_25:
0x1e5: {  	p1 =	seq.s32 s23, $0x0  }
0x1e6: {  	s1 =	simm.s32 @!p1 $0x2  }
0x1e7: {  	p2 =	seq.s32 @!p1 s23, $0xF;
	_ =	swait.ge @!p1 [sflag:s1], $0x8000  }
0x1e8: {  	s0 =	sadd.s32 $0x1, s23;
	p2 =	por p1, !p2;
	[sflag:s1] =	ssyncset.done @!p1 $0x0  }
0x1e9: {  	[sflag:s1] =	ssyncadd.s32 @!p1 $0xFFFF8000;
	s1 =	sshll.u32 @p2 s0, $0xF  }
0x1ea: {  	s2 =	sshll.u32 @p2 s0, $0xC;
	s1 =	sand.u32 @p2 $0x8000, s1  }
0x1eb: {  	s2 =	sadd.s32 @p2 s2, s7;
	s1 =	sor.u32 @p2 $0x1800, s1  }
0x1ec: {  	[tilespmem:s1], [sflag:$0x1] =	stream.linear.gather @p2 [hbm4b:s2+s4], $0x8000, $0x38;
	[tilespmem:$0x11A80] =	vst v63  }
0x1ed: {  	_ =	swait.ge [sflag:s21], $0x8000  }
0x1ee: {  	[sflag:s21] =	ssyncset.done $0x0  }
0x1ef: {  	[sflag:s21] =	ssyncadd.s32 $0xFFFF8000  }
0x1f0: {  	s30 =	sld [smem:s23+$0x0];
	_ =	sdelay $0x2  }
0x1f1: {  	p1 =	sgt.s32 s30, $0x3F  }
.Ltmp16:
0x1f2: {  	_ = 	snop;
	(pc) =	sbr.rel @p1 .LBB2_31-.Ltmp16, $4  }
0x1f3: {  	_ = 	snop  }
0x1f4: {  	s31 =	sshll.u32 s23, $0xF  }
0x1f5: {  	s1 =	sand.u32 $0x8000, s31  }
0x1f6: {  	s2 =	sor.u32 $0x1800, s1  }
.Ltmp17:
0x1f7: {  	(pc) =	sbr.rel .LBB2_27-.Ltmp17, $4  }
0x1f8: {  	s9 =	sshll.u32 s23, $0x6  }
0x1f9: {  	s9 =	sand.u32 $0x3FFFFFC0, s9  }
0x1fa: {  	s9 =	sadd.s32 s9, s5  }
0x1fb: {  	s25 =	simm.s32 $0x0;
	v9 =	vmov s9  }
.LBB2_30:
0x1fc: {  	s25 =	sadd.s32 $0x1, s25  }
0x1fd: {  	p1 =	sne.s32 s25, $0x40  }
.Ltmp18:
0x1fe: {  	_ = 	snop;
	(pc) =	sbr.rel @!p1 .LBB2_31-.Ltmp18, $1  }
0x1ff: {  	_ =	sdelay $0x3  }
.LBB2_27:
0x200: {  	_ =	sdelay $0x2  }
0x201: {  	s9 =	sand.u32 $0x30, s25  }
0x202: {  	v10 =	vld.idx.msk [tilespmem:v9+s9+$0x0 ss:$0x1], $0xffff;
	_ =	sdelay $0x1  }
0x203: {  	s30 =	sand.u32 $0xF, s25  }
0x204: {  	v11 =	vmov s30  }
0x205: {  	vm5 =	veq.s32 v11, v2  }
0x206: {  	v10 =	vnsel vm5, $0x0, v10  }
0x207: {  	v11 =	vperm.xlane v10, v1  }
0x208: {  	vm5 =	veq.s32 v2, $0x0  }
0x209: {  	v11 =	vsel vm5, $0x0, v11  }
0x20a: {  	v10 =	vadd.s32 v10, v11  }
0x20b: {  	v11 =	vperm.xlane v10, v3;
	_ =	sdelay $0x1  }
0x20c: {  	v11 =	vsel vm1, $0x0, v11  }
0x20d: {  	v10 =	vadd.s32 v11, v10  }
0x20e: {  	v11 =	vperm.xlane v10, v4;
	_ =	sdelay $0x1  }
0x20f: {  	v11 =	vsel vm2, $0x0, v11  }
0x210: {  	v10 =	vadd.s32 v11, v10  }
0x211: {  	v11 =	vperm.xlane v10, v5;
	_ =	sdelay $0x1  }
0x212: {  	v10 =	vadd.s32 v11, v10  }
0x213: {  	(v2sf) =	vpush v10, $0xF;
	_ =	sdelay $0xe  }
0x214: {  	s31 =	spop (v2sf)  }
0x215: {  	p1 =	sne.s32 s31, $0x0  }
.Ltmp19:
0x216: {  	_ = 	snop;
	(pc) =	sbr.rel @p1 .LBB2_30-.Ltmp19, $1  }
0x217: {  	_ =	sdelay $0x3  }
0x218: {  	s9 =	sshll.u32 s25, $0x9;
	s12 =	simm.s32 $0x11800  }
0x219: {  	s17 =	sshll.u32 s25, $0x7;
	s9 =	sand.u32 $0x7000, s9;
	v10 =	vld [tilespmem:s12+$0x0]  }
0x21a: {  	s29 =	sand.u32 $0x380, s17;
	s30 =	sadd.s32 s9, s2;
	s9 =	simm.s32 $0x0  }
0x21b: {  	s17 =	sadd.s32 s29, s30;
	s31 =	sand.u32 $0xC00, s9  }
0x21c: {  	s20 =	sand.u32 $0x70, s9;
	s12 =	sadd.s32 s31, s17  }
0x21d: {  	s12 =	sadd.s32 s20, s12  }
0x21e: {  	s26 =	simm.s32 $0x10;
	s28 =	simm.s32 $0x11810;
	[tilespmem:s12+$0x0] =	vst v10  }
.LBB2_29:
0x21f: {  	v10 =	vld [tilespmem:s28+$0x0];
	p1 =	sne.s32 s26, $0x1F0;
	s12 =	smov.u32 s26;
	s26 =	sadd.s32 $0x10, s26  }
.Ltmp20:
0x220: {  	s9 =	sadd.s32 $0x80, s9;
	(pc) =	sbr.rel @p1 .LBB2_29-.Ltmp20, $4  }
0x221: {  	s20 =	sand.u32 $0xC00, s9  }
0x222: {  	s12 =	sand.u32 $0x70, s12;
	s20 =	sadd.s32 s20, s17  }
0x223: {  	s12 =	sadd.s32 s12, s20  }
0x224: {  	s28 =	sadd.s32 $0x10, s28;
	[tilespmem:s12+$0x0] =	vst v10  }
.Ltmp21:
0x225: {  	_ = 	snop;
	(pc) =	sbr.rel .LBB2_30-.Ltmp21, $1  }
0x226: {  	_ =	sdelay $0x3  }
.LBB2_8:
.Ltmp22:
0x227: {  	(pc) =	sbr.rel .LBB2_21-.Ltmp22, $2  }
0x228: {  	_ =	sdelay $0x2  }
0x229: {  	s0 =	simm.s32 $0x0;
	v11 =	vmov v13  }
.LBB2_10:
.Ltmp23:
0x22a: {  	(pc) =	sbr.rel .LBB2_21-.Ltmp23, $2  }
0x22b: {  	_ =	sdelay $0x2  }
0x22c: {  	s0 =	simm.s32 $0x0  }
.LBB2_12:
.Ltmp24:
0x22d: {  	(pc) =	sbr.rel .LBB2_21-.Ltmp24, $2  }
0x22e: {  	_ =	sdelay $0x2  }
0x22f: {  	s0 =	simm.s32 $0x0;
	v11 =	vmov v13  }
.LBB2_14:
.Ltmp25:
0x230: {  	(pc) =	sbr.rel .LBB2_21-.Ltmp25, $2  }
0x231: {  	_ =	sdelay $0x2  }
0x232: {  	s0 =	simm.s32 $0x0  }
.LBB2_16:
.Ltmp26:
0x233: {  	(pc) =	sbr.rel .LBB2_21-.Ltmp26, $2  }
0x234: {  	_ =	sdelay $0x2  }
0x235: {  	s0 =	simm.s32 $0x0;
	v12 =	vmov v13;
	v11 =	vmov v17;
	v16 =	vmov v15  }
.LBB2_18:
.Ltmp27:
0x236: {  	(pc) =	sbr.rel .LBB2_21-.Ltmp27, $2  }
0x237: {  	_ =	sdelay $0x2  }
0x238: {  	s0 =	simm.s32 $0x0  }
.LBB2_34:
0x239: {  	_ =	sfence.sel $0x180000  }
0x23a: {  	[bflag:$0x0] =	sbarrier.arrive $0xFFFF  }
0x23b: {  	_ =	strace $0x90000047  }
0x23c: {  	s0 =	stileid.u32;
	[bflag:$0x2] =	sbarrier.arrive $0xFFFF  }
0x23d: {  	p0 =	sne.s32 s0, $0x0;
	s0 =	rddreg [dreg:$0x4]  }
0x23e: {  	s0 =	sadd.s32 @!p0 $0x100000, s0  }
0x23f: {  	[sflag:s0] =	ssyncadd.tile.s32 @!p0 $0x1;
	_ =	shalt  }
.Lfunc_end2:
_tile_overlayer_lowered:
.L_overlay_start_2:
0x240: {  	(tag) =	ssettag $0x2  }
0x241: {  	s0 =	rddreg [dreg:$0x0];
	s2 =	stileid.u32  }
0x242: {  	s1 =	rddreg [dreg:$0x1];
	p0 =	sne.s32 s2, $0x0  }
0x243: {  	s3 =	rddreg [dreg:$0x2];
	[bflag:$0x3] =	sbarrier.arrive $0xFFFF;
	s2 =	simm.s32 @!p0 $0x1C03  }
0x244: {  	[timem:s3], [sflag:s2] =	dma.local @!p0 [hbm:s0], s1  }
0x245: {  	s0 =	simm.s32 @!p0 $0x3  }
0x246: {  	_ =	swait.ge @!p0 [sflag:s0], s1  }
0x247: {  	s1 =	ssub.s32 @!p0 $0x0, s1;
	[sflag:s0] =	ssyncset.done @!p0 $0x0  }
0x248: {  	[sflag:s0] =	ssyncadd.s32 @!p0 s1  }
0x249: {  	[bflag:$0x3] =	sbarrier.arrive $0xFFFF  }
0x24a: {  	_ =	shalt  }

</sc_bundles>
